<compile_context>
chip_gen: v7x
topology: tpu7x:2x2x1
jax: 0.10.2.dev20260603
libtpu: 0.0.44.dev20260713+nightly
codegen_flags: <defaults>
</compile_context>

<pallas_src>
import jax
import jax.numpy as jnp
from jax import lax
from jax.experimental import pallas as pl
from jax.experimental.pallas import tpu as pltpu
from jax.experimental.pallas import tpu_sc as plsc

MINUTE_SIZE = 60
D_MODEL = 512

_N = 4096 * 200
_NW = 32
_PER_W = _N // _NW
_CHUNK = 80
_STEPS = _PER_W // _CHUNK
_L = 16
_G = _CHUNK // _L
_DRAIN = 65536
_NDRAIN = _PER_W * D_MODEL // _DRAIN


def _sc_kernel(x_hbm, w_hbm, out_hbm, w_tile, dummy, xbufs, idxs,
               xsems, wsem):
    wid = lax.axis_index("s") * 2 + lax.axis_index("c")
    base0 = wid * _PER_W
    lanes = lax.iota(jnp.int32, _L)

    pltpu.sync_copy(w_hbm, w_tile)

    def stage(g, b):
        base = base0 + g * _CHUNK
        pltpu.async_copy(x_hbm.at[pl.ds(base * 4, _CHUNK * 4)], xbufs[b],
                         xsems[b])

    stage(0, 0)
    stage(1, 1)

    def body(h, carry):
        for b in range(2):
            g = 2 * h + b
            base = base0 + g * _CHUNK
            pltpu.make_async_copy(
                x_hbm.at[pl.ds(0, _CHUNK * 4)], xbufs[b], xsems[b]).wait()
            for j in range(_G):
                flat = lanes * 4 + (j * _L * 4 + 1)
                idxs[b][pl.ds(j * _L, _L)] = (
                    plsc.load_gather(xbufs[b], [flat]) * D_MODEL)

            @pl.when(g + 2 < _STEPS)
            def _():
                stage(g + 2, b)

            @plsc.parallel_loop(0, _G, 1)
            def _(grp):
                ivec = idxs[b][pl.ds(grp * _L, _L)]
                gbase = base + grp * _L
                for l in range(_L):
                    off = pl.multiple_of(ivec[l], D_MODEL)
                    dst = pl.multiple_of((gbase + l) * D_MODEL, D_MODEL)
                    pltpu.async_copy(
                        w_tile.at[pl.ds(off, D_MODEL)],
                        out_hbm.at[pl.ds(dst, D_MODEL)],
                        wsem)

        return carry

    lax.fori_loop(0, _STEPS // 2, body, 0)

    def drain(i, carry):
        pltpu.make_async_copy(
            out_hbm.at[pl.ds(0, _DRAIN)], dummy, wsem).wait()
        return carry

    lax.fori_loop(0, _NDRAIN, drain, 0)


@jax.jit
def kernel(x, W):
    x2 = x.reshape(_N * 4).astype(jnp.int32)
    w2 = W.reshape(MINUTE_SIZE * D_MODEL)
    mesh = plsc.VectorSubcoreMesh(core_axis_name="c", subcore_axis_name="s")

    def body(x_hbm, w_hbm, out_hbm, w_tile, dummy, xb0, xb1, id0, id1,
             xs0, xs1, ws):
        _sc_kernel(x_hbm, w_hbm, out_hbm, w_tile, dummy,
                   (xb0, xb1), (id0, id1), (xs0, xs1), ws)

    out = pl.kernel(
        body,
        mesh=mesh,
        compiler_params=pltpu.CompilerParams(needs_layout_passes=False),
        out_type=jax.ShapeDtypeStruct((_N * D_MODEL,), jnp.float32),
        scratch_types=[
            pltpu.VMEM((MINUTE_SIZE * D_MODEL,), jnp.float32),
            pltpu.VMEM((_DRAIN,), jnp.float32),
            pltpu.VMEM((_CHUNK * 4,), jnp.int32),
            pltpu.VMEM((_CHUNK * 4,), jnp.int32),
            pltpu.VMEM((_CHUNK + _L,), jnp.int32),
            pltpu.VMEM((_CHUNK + _L,), jnp.int32),
            pltpu.SemaphoreType.DMA,
            pltpu.SemaphoreType.DMA,
            pltpu.SemaphoreType.DMA,
        ],
    )(x2, w2)
    return out.reshape(4096, 200, D_MODEL)

# --- scband reference (transcript-rebuilt; emitter-appended) ---
"""Pipeline reference for scband-t-embedding-mark-16621523436373 (READ-ONLY COPY).

The authoritative reference and input builder live on the scoring server;
editing this copy changes nothing except your own understanding.
"""

import jax, jax.numpy as jnp
import numpy as np

MINUTE_SIZE = 60
D_MODEL = 512

def setup_inputs(seed: int = 0) -> dict:
    key = jax.random.key(seed)
    k_x, k_w = jax.random.split(key)
    x = jax.random.randint(k_x, (4096, 200, 4), 0, MINUTE_SIZE, dtype=jnp.int64) if jax.config.jax_enable_x64 else jax.random.randint(k_x, (4096, 200, 4), 0, MINUTE_SIZE, dtype=jnp.int32)
    W = jax.random.normal(k_w, (MINUTE_SIZE, D_MODEL), dtype=jnp.float32)
    return {"x": x, "W": W}

def reference(x, W):
    # x = x.long(); x = self.t_embed(x[:, :, 1])
    idx = x[:, :, 1].astype(jnp.int32)
    out = jnp.take(W, idx, axis=0)
    return out

if __name__ == "__main__":
    import jax
    _d = setup_inputs()
    print(jax.jit(kernel)(*tuple(_d.values())))

</pallas_src>

<mosaic_0001>
#map = affine_map<(d0, d1) -> (0)>
module attributes {stable_mosaic.version = 14 : i64} {
  func.func @body(%arg0: i32, %arg1: i32, %arg2: memref<3276800xi32, #tpu.memory_space<hbm>>, %arg3: memref<30720xf32, #tpu.memory_space<hbm>>, %arg4: memref<419430400xf32, #tpu.memory_space<hbm>>, %arg5: memref<30720xf32, #tpu.memory_space<vmem>>, %arg6: memref<65536xf32, #tpu.memory_space<vmem>>, %arg7: memref<320xi32, #tpu.memory_space<vmem>>, %arg8: memref<320xi32, #tpu.memory_space<vmem>>, %arg9: memref<96xi32, #tpu.memory_space<vmem>>, %arg10: memref<96xi32, #tpu.memory_space<vmem>>, %arg11: memref<!tpu.dma_semaphore, #tpu.memory_space<semaphore_mem>>, %arg12: memref<!tpu.dma_semaphore, #tpu.memory_space<semaphore_mem>>, %arg13: memref<!tpu.dma_semaphore, #tpu.memory_space<semaphore_mem>>) attributes {dimension_semantics = [#tpu.dimension_semantics<core_parallel>, #tpu.dimension_semantics<subcore_parallel>], iteration_bounds = array<i64: 2, 16>, scalar_prefetch = 0 : i64, scratch_operands = 9 : i64, tpu.core_type = #tpu.core_type<sc_vector_subcore>, window_params = [{transform_indices = #map}, {transform_indices = #map}, {transform_indices = #map}]} {
    %mul3A = arith.constant 2 : i32
    %mul3A_0 = arith.muli %arg1, %mul3A : i32
    %add3A = arith.addi %mul3A_0, %arg0 : i32
    %mul3A_1 = arith.constant 25600 : i32
    %mul3A_2 = arith.muli %add3A, %mul3A_1 : i32
    %iota3A = tpu.iota {dimensions = array<i32: 0>} : vector<16xi32>
    "tpu.region"() ({
      %run_scoped3A = tpu.sem_alloc : memref<!tpu.dma_semaphore, #tpu.memory_space<semaphore_mem>>
      tpu.enqueue_dma source(%arg3 : memref<30720xf32, #tpu.memory_space<hbm>>) target(%arg5 : memref<30720xf32, #tpu.memory_space<vmem>>) target_semaphore(%run_scoped3A : memref<!tpu.dma_semaphore, #tpu.memory_space<semaphore_mem>>)
      tpu.wait_dma2 semaphore(%run_scoped3A : memref<!tpu.dma_semaphore, #tpu.memory_space<semaphore_mem>>) src(%arg3 : memref<30720xf32, #tpu.memory_space<hbm>>) dst(%arg5 : memref<30720xf32, #tpu.memory_space<vmem>>)
      tpu.yield
    }) : () -> ()
    %add3A_3 = arith.constant 0 : i32
    %add3A_4 = arith.addi %mul3A_2, %add3A_3 : i32
    %mul3A_5 = arith.constant 4 : i32
    %mul3A_6 = arith.muli %add3A_4, %mul3A_5 : i32
    %dma_start3A = tpu.memref_slice %arg2[%mul3A_6] : memref<3276800xi32, #tpu.memory_space<hbm>> -> memref<320xi32, #tpu.memory_space<hbm>>
    %dma_start3A_7 = tpu.memref_slice %arg2[%mul3A_6] : memref<3276800xi32, #tpu.memory_space<hbm>> -> memref<320xi32, #tpu.memory_space<hbm>>
    tpu.enqueue_dma source(%dma_start3A_7 : memref<320xi32, #tpu.memory_space<hbm>>) target(%arg7 : memref<320xi32, #tpu.memory_space<vmem>>) target_semaphore(%arg11 : memref<!tpu.dma_semaphore, #tpu.memory_space<semaphore_mem>>)
    %add3A_8 = arith.constant 80 : i32
    %add3A_9 = arith.addi %mul3A_2, %add3A_8 : i32
    %mul3A_10 = arith.constant 4 : i32
    %mul3A_11 = arith.muli %add3A_9, %mul3A_10 : i32
    %dma_start3A_12 = tpu.memref_slice %arg2[%mul3A_11] : memref<3276800xi32, #tpu.memory_space<hbm>> -> memref<320xi32, #tpu.memory_space<hbm>>
    %dma_start3A_13 = tpu.memref_slice %arg2[%mul3A_11] : memref<3276800xi32, #tpu.memory_space<hbm>> -> memref<320xi32, #tpu.memory_space<hbm>>
    tpu.enqueue_dma source(%dma_start3A_13 : memref<320xi32, #tpu.memory_space<hbm>>) target(%arg8 : memref<320xi32, #tpu.memory_space<vmem>>) target_semaphore(%arg12 : memref<!tpu.dma_semaphore, #tpu.memory_space<semaphore_mem>>)
    %scan3A = arith.constant 0 : i32
    %scan3A_14 = arith.constant 0 : i32
    %scan3A_15 = arith.constant 160 : i32
    %scan3A_16 = arith.addi %scan3A_14, %scan3A_15 : i32
    %scan3A_17 = arith.constant 1 : i32
    scf.for %scan3A_25 = %scan3A_14 to %scan3A_16 step %scan3A_17  : i32 {
      %mul3A_26 = arith.constant 2 : i32
      %mul3A_27 = arith.muli %mul3A_26, %scan3A_25 : i32
      %add3A_28 = arith.constant 0 : i32
      %add3A_29 = arith.addi %mul3A_27, %add3A_28 : i32
      %mul3A_30 = arith.constant 80 : i32
      %mul3A_31 = arith.muli %add3A_29, %mul3A_30 : i32
      %add3A_32 = arith.addi %mul3A_2, %mul3A_31 : i32
      %dma_wait3A = arith.constant 0 : i32
      %dma_wait3A_33 = tpu.memref_slice %arg2[%dma_wait3A] : memref<3276800xi32, #tpu.memory_space<hbm>> -> memref<320xi32, #tpu.memory_space<hbm>>
      %dma_wait3A_34 = arith.constant 0 : i32
      %dma_wait3A_35 = tpu.memref_slice %arg2[%dma_wait3A_34] : memref<3276800xi32, #tpu.memory_space<hbm>> -> memref<320xi32, #tpu.memory_space<hbm>>
      tpu.wait_dma2 semaphore(%arg11 : memref<!tpu.dma_semaphore, #tpu.memory_space<semaphore_mem>>) src(%dma_wait3A_35 : memref<320xi32, #tpu.memory_space<hbm>>) dst(%arg7 : memref<320xi32, #tpu.memory_space<vmem>>)
      %mul3A_36 = arith.constant 4 : i32
      %mul3A_37 = vector.broadcast %mul3A_36 : i32 to vector<16xi32>
      %mul3A_38 = arith.muli %iota3A, %mul3A_37 : vector<16xi32>
      %add3A_39 = arith.constant 1 : i32
      %add3A_40 = vector.broadcast %add3A_39 : i32 to vector<16xi32>
      %add3A_41 = arith.addi %mul3A_38, %add3A_40 : vector<16xi32>
      %gather3A = tpu.vector_load_idx %arg7[%add3A_41] : memref<320xi32, #tpu.memory_space<vmem>>[vector<16xi32>], vector<16xi32>,
      %mul3A_42 = arith.constant 512 : i32
      %mul3A_43 = vector.broadcast %mul3A_42 : i32 to vector<16xi32>
      %mul3A_44 = arith.muli %gather3A, %mul3A_43 : vector<16xi32>
      %swap3A = arith.constant 0 : index
      %swap3A_45 = tpu.vector_load %arg9[%swap3A] {strides = array<i32>} : memref<96xi32, #tpu.memory_space<vmem>>, vector<16xi32>,
      tpu.vector_store %arg9[%swap3A], %mul3A_44 {strides = array<i32>} : memref<96xi32, #tpu.memory_space<vmem>>, vector<16xi32>,
      %mul3A_46 = arith.constant 4 : i32
      %mul3A_47 = vector.broadcast %mul3A_46 : i32 to vector<16xi32>
      %mul3A_48 = arith.muli %iota3A, %mul3A_47 : vector<16xi32>
      %add3A_49 = arith.constant 65 : i32
      %add3A_50 = vector.broadcast %add3A_49 : i32 to vector<16xi32>
      %add3A_51 = arith.addi %mul3A_48, %add3A_50 : vector<16xi32>
      %gather3A_52 = tpu.vector_load_idx %arg7[%add3A_51] : memref<320xi32, #tpu.memory_space<vmem>>[vector<16xi32>], vector<16xi32>,
      %mul3A_53 = arith.constant 512 : i32
      %mul3A_54 = vector.broadcast %mul3A_53 : i32 to vector<16xi32>
      %mul3A_55 = arith.muli %gather3A_52, %mul3A_54 : vector<16xi32>
      %swap3A_56 = arith.constant 16 : index
      %swap3A_57 = tpu.vector_load %arg9[%swap3A_56] {strides = array<i32>} : memref<96xi32, #tpu.memory_space<vmem>>, vector<16xi32>,
      tpu.vector_store %arg9[%swap3A_56], %mul3A_55 {strides = array<i32>} : memref<96xi32, #tpu.memory_space<vmem>>, vector<16xi32>,
      %mul3A_58 = arith.constant 4 : i32
      %mul3A_59 = vector.broadcast %mul3A_58 : i32 to vector<16xi32>
      %mul3A_60 = arith.muli %iota3A, %mul3A_59 : vector<16xi32>
      %add3A_61 = arith.constant 129 : i32
      %add3A_62 = vector.broadcast %add3A_61 : i32 to vector<16xi32>
      %add3A_63 = arith.addi %mul3A_60, %add3A_62 : vector<16xi32>
      %gather3A_64 = tpu.vector_load_idx %arg7[%add3A_63] : memref<320xi32, #tpu.memory_space<vmem>>[vector<16xi32>], vector<16xi32>,
      %mul3A_65 = arith.constant 512 : i32
      %mul3A_66 = vector.broadcast %mul3A_65 : i32 to vector<16xi32>
      %mul3A_67 = arith.muli %gather3A_64, %mul3A_66 : vector<16xi32>
      %swap3A_68 = arith.constant 32 : index
      %swap3A_69 = tpu.vector_load %arg9[%swap3A_68] {strides = array<i32>} : memref<96xi32, #tpu.memory_space<vmem>>, vector<16xi32>,
      tpu.vector_store %arg9[%swap3A_68], %mul3A_67 {strides = array<i32>} : memref<96xi32, #tpu.memory_space<vmem>>, vector<16xi32>,
      %mul3A_70 = arith.constant 4 : i32
      %mul3A_71 = vector.broadcast %mul3A_70 : i32 to vector<16xi32>
      %mul3A_72 = arith.muli %iota3A, %mul3A_71 : vector<16xi32>
      %add3A_73 = arith.constant 193 : i32
      %add3A_74 = vector.broadcast %add3A_73 : i32 to vector<16xi32>
      %add3A_75 = arith.addi %mul3A_72, %add3A_74 : vector<16xi32>
      %gather3A_76 = tpu.vector_load_idx %arg7[%add3A_75] : memref<320xi32, #tpu.memory_space<vmem>>[vector<16xi32>], vector<16xi32>,
      %mul3A_77 = arith.constant 512 : i32
      %mul3A_78 = vector.broadcast %mul3A_77 : i32 to vector<16xi32>
      %mul3A_79 = arith.muli %gather3A_76, %mul3A_78 : vector<16xi32>
      %swap3A_80 = arith.constant 48 : index
      %swap3A_81 = tpu.vector_load %arg9[%swap3A_80] {strides = array<i32>} : memref<96xi32, #tpu.memory_space<vmem>>, vector<16xi32>,
      tpu.vector_store %arg9[%swap3A_80], %mul3A_79 {strides = array<i32>} : memref<96xi32, #tpu.memory_space<vmem>>, vector<16xi32>,
      %mul3A_82 = arith.constant 4 : i32
      %mul3A_83 = vector.broadcast %mul3A_82 : i32 to vector<16xi32>
      %mul3A_84 = arith.muli %iota3A, %mul3A_83 : vector<16xi32>
      %add3A_85 = arith.constant 257 : i32
      %add3A_86 = vector.broadcast %add3A_85 : i32 to vector<16xi32>
      %add3A_87 = arith.addi %mul3A_84, %add3A_86 : vector<16xi32>
      %gather3A_88 = tpu.vector_load_idx %arg7[%add3A_87] : memref<320xi32, #tpu.memory_space<vmem>>[vector<16xi32>], vector<16xi32>,
      %mul3A_89 = arith.constant 512 : i32
      %mul3A_90 = vector.broadcast %mul3A_89 : i32 to vector<16xi32>
      %mul3A_91 = arith.muli %gather3A_88, %mul3A_90 : vector<16xi32>
      %swap3A_92 = arith.constant 64 : index
      %swap3A_93 = tpu.vector_load %arg9[%swap3A_92] {strides = array<i32>} : memref<96xi32, #tpu.memory_space<vmem>>, vector<16xi32>,
      tpu.vector_store %arg9[%swap3A_92], %mul3A_91 {strides = array<i32>} : memref<96xi32, #tpu.memory_space<vmem>>, vector<16xi32>,
      %add3A_94 = arith.constant 2 : i32
      %add3A_95 = arith.addi %add3A_29, %add3A_94 : i32
      %lt3A = arith.constant 320 : i32
      %lt3A_96 = arith.cmpi slt, %add3A_95, %lt3A : i32
      %convert_element_type3A = arith.extui %lt3A_96 : i1 to i32
      %cond3A = arith.constant 0 : i32
      %cond3A_97 = arith.cmpi ne, %convert_element_type3A, %cond3A : i32
      scf.if %cond3A_97 {
        %add3A_181 = arith.constant 2 : i32
        %add3A_182 = arith.addi %add3A_29, %add3A_181 : i32
        %mul3A_183 = arith.constant 80 : i32
        %mul3A_184 = arith.muli %add3A_182, %mul3A_183 : i32
        %add3A_185 = arith.addi %mul3A_2, %mul3A_184 : i32
        %mul3A_186 = arith.constant 4 : i32
        %mul3A_187 = arith.muli %add3A_185, %mul3A_186 : i32
        %dma_start3A_188 = tpu.memref_slice %arg2[%mul3A_187] : memref<3276800xi32, #tpu.memory_space<hbm>> -> memref<320xi32, #tpu.memory_space<hbm>>
        %dma_start3A_189 = tpu.memref_slice %arg2[%mul3A_187] : memref<3276800xi32, #tpu.memory_space<hbm>> -> memref<320xi32, #tpu.memory_space<hbm>>
        tpu.enqueue_dma source(%dma_start3A_189 : memref<320xi32, #tpu.memory_space<hbm>>) target(%arg7 : memref<320xi32, #tpu.memory_space<vmem>>) target_semaphore(%arg11 : memref<!tpu.dma_semaphore, #tpu.memory_space<semaphore_mem>>)
      } else {
      }
      %parallel_loop3A = arith.constant 0 : i32
      %parallel_loop3A_98 = arith.constant 5 : i32
      %parallel_loop3A_99 = arith.constant 1 : i32
      scf.for %parallel_loop3A_181 = %parallel_loop3A to %parallel_loop3A_98 step %parallel_loop3A_99  : i32 {
        %parallel_loop3A_182 = arith.constant 16 : i32
        %parallel_loop3A_183 = arith.muli %parallel_loop3A_181, %parallel_loop3A_182 : i32
        %parallel_loop3A_184 = arith.index_cast %parallel_loop3A_183 : i32 to index
        %parallel_loop3A_185 = tpu.vector_load %arg9[%parallel_loop3A_184] {strides = array<i32>} : memref<96xi32, #tpu.memory_space<vmem>>, vector<16xi32>,
        %parallel_loop3A_186 = arith.constant 16 : i32
        %parallel_loop3A_187 = arith.muli %parallel_loop3A_181, %parallel_loop3A_186 : i32
        %parallel_loop3A_188 = arith.addi %add3A_32, %parallel_loop3A_187 : i32
        %parallel_loop3A_189 = vector.extract_strided_slice %parallel_loop3A_185 {offsets = [0], sizes = [1], strides = [1]} : vector<16xi32> to vector<1xi32>
        %parallel_loop3A_190 = vector.extract %parallel_loop3A_189[0] : i32 from vector<1xi32>
        %parallel_loop3A_191 = tpu.assume_multiple %parallel_loop3A_190, 512 : i32
        %parallel_loop3A_192 = arith.constant 0 : i32
        %parallel_loop3A_193 = arith.addi %parallel_loop3A_188, %parallel_loop3A_192 : i32
        %parallel_loop3A_194 = arith.constant 512 : i32
        %parallel_loop3A_195 = arith.muli %parallel_loop3A_193, %parallel_loop3A_194 : i32
        %parallel_loop3A_196 = tpu.assume_multiple %parallel_loop3A_195, 512 : i32
        %parallel_loop3A_197 = tpu.memref_slice %arg5[%parallel_loop3A_191] : memref<30720xf32, #tpu.memory_space<vmem>> -> memref<512xf32, #tpu.memory_space<vmem>>
        %parallel_loop3A_198 = tpu.memref_slice %arg4[%parallel_loop3A_196] : memref<419430400xf32, #tpu.memory_space<hbm>> -> memref<512xf32, #tpu.memory_space<hbm>>
        %parallel_loop3A_199 = tpu.memref_slice %arg4[%parallel_loop3A_196] : memref<419430400xf32, #tpu.memory_space<hbm>> -> memref<512xf32, #tpu.memory_space<hbm>>
        %parallel_loop3A_200 = tpu.memref_slice %arg5[%parallel_loop3A_191] : memref<30720xf32, #tpu.memory_space<vmem>> -> memref<512xf32, #tpu.memory_space<vmem>>
        tpu.enqueue_dma source(%parallel_loop3A_200 : memref<512xf32, #tpu.memory_space<vmem>>) target(%parallel_loop3A_199 : memref<512xf32, #tpu.memory_space<hbm>>) target_semaphore(%arg13 : memref<!tpu.dma_semaphore, #tpu.memory_space<semaphore_mem>>)
        %parallel_loop3A_201 = vector.extract_strided_slice %parallel_loop3A_185 {offsets = [1], sizes = [1], strides = [1]} : vector<16xi32> to vector<1xi32>
        %parallel_loop3A_202 = vector.extract %parallel_loop3A_201[0] : i32 from vector<1xi32>
        %parallel_loop3A_203 = tpu.assume_multiple %parallel_loop3A_202, 512 : i32
        %parallel_loop3A_204 = arith.constant 1 : i32
        %parallel_loop3A_205 = arith.addi %parallel_loop3A_188, %parallel_loop3A_204 : i32
        %parallel_loop3A_206 = arith.constant 512 : i32
        %parallel_loop3A_207 = arith.muli %parallel_loop3A_205, %parallel_loop3A_206 : i32
        %parallel_loop3A_208 = tpu.assume_multiple %parallel_loop3A_207, 512 : i32
        %parallel_loop3A_209 = tpu.memref_slice %arg5[%parallel_loop3A_203] : memref<30720xf32, #tpu.memory_space<vmem>> -> memref<512xf32, #tpu.memory_space<vmem>>
        %parallel_loop3A_210 = tpu.memref_slice %arg4[%parallel_loop3A_208] : memref<419430400xf32, #tpu.memory_space<hbm>> -> memref<512xf32, #tpu.memory_space<hbm>>
        %parallel_loop3A_211 = tpu.memref_slice %arg4[%parallel_loop3A_208] : memref<419430400xf32, #tpu.memory_space<hbm>> -> memref<512xf32, #tpu.memory_space<hbm>>
        %parallel_loop3A_212 = tpu.memref_slice %arg5[%parallel_loop3A_203] : memref<30720xf32, #tpu.memory_space<vmem>> -> memref<512xf32, #tpu.memory_space<vmem>>
        tpu.enqueue_dma source(%parallel_loop3A_212 : memref<512xf32, #tpu.memory_space<vmem>>) target(%parallel_loop3A_211 : memref<512xf32, #tpu.memory_space<hbm>>) target_semaphore(%arg13 : memref<!tpu.dma_semaphore, #tpu.memory_space<semaphore_mem>>)
        %parallel_loop3A_213 = vector.extract_strided_slice %parallel_loop3A_185 {offsets = [2], sizes = [1], strides = [1]} : vector<16xi32> to vector<1xi32>
        %parallel_loop3A_214 = vector.extract %parallel_loop3A_213[0] : i32 from vector<1xi32>
        %parallel_loop3A_215 = tpu.assume_multiple %parallel_loop3A_214, 512 : i32
        %parallel_loop3A_216 = arith.constant 2 : i32
        %parallel_loop3A_217 = arith.addi %parallel_loop3A_188, %parallel_loop3A_216 : i32
        %parallel_loop3A_218 = arith.constant 512 : i32
        %parallel_loop3A_219 = arith.muli %parallel_loop3A_217, %parallel_loop3A_218 : i32
        %parallel_loop3A_220 = tpu.assume_multiple %parallel_loop3A_219, 512 : i32
        %parallel_loop3A_221 = tpu.memref_slice %arg5[%parallel_loop3A_215] : memref<30720xf32, #tpu.memory_space<vmem>> -> memref<512xf32, #tpu.memory_space<vmem>>
        %parallel_loop3A_222 = tpu.memref_slice %arg4[%parallel_loop3A_220] : memref<419430400xf32, #tpu.memory_space<hbm>> -> memref<512xf32, #tpu.memory_space<hbm>>
        %parallel_loop3A_223 = tpu.memref_slice %arg4[%parallel_loop3A_220] : memref<419430400xf32, #tpu.memory_space<hbm>> -> memref<512xf32, #tpu.memory_space<hbm>>
        %parallel_loop3A_224 = tpu.memref_slice %arg5[%parallel_loop3A_215] : memref<30720xf32, #tpu.memory_space<vmem>> -> memref<512xf32, #tpu.memory_space<vmem>>
        tpu.enqueue_dma source(%parallel_loop3A_224 : memref<512xf32, #tpu.memory_space<vmem>>) target(%parallel_loop3A_223 : memref<512xf32, #tpu.memory_space<hbm>>) target_semaphore(%arg13 : memref<!tpu.dma_semaphore, #tpu.memory_space<semaphore_mem>>)
        %parallel_loop3A_225 = vector.extract_strided_slice %parallel_loop3A_185 {offsets = [3], sizes = [1], strides = [1]} : vector<16xi32> to vector<1xi32>
        %parallel_loop3A_226 = vector.extract %parallel_loop3A_225[0] : i32 from vector<1xi32>
        %parallel_loop3A_227 = tpu.assume_multiple %parallel_loop3A_226, 512 : i32
        %parallel_loop3A_228 = arith.constant 3 : i32
        %parallel_loop3A_229 = arith.addi %parallel_loop3A_188, %parallel_loop3A_228 : i32
        %parallel_loop3A_230 = arith.constant 512 : i32
        %parallel_loop3A_231 = arith.muli %parallel_loop3A_229, %parallel_loop3A_230 : i32
        %parallel_loop3A_232 = tpu.assume_multiple %parallel_loop3A_231, 512 : i32
        %parallel_loop3A_233 = tpu.memref_slice %arg5[%parallel_loop3A_227] : memref<30720xf32, #tpu.memory_space<vmem>> -> memref<512xf32, #tpu.memory_space<vmem>>
        %parallel_loop3A_234 = tpu.memref_slice %arg4[%parallel_loop3A_232] : memref<419430400xf32, #tpu.memory_space<hbm>> -> memref<512xf32, #tpu.memory_space<hbm>>
        %parallel_loop3A_235 = tpu.memref_slice %arg4[%parallel_loop3A_232] : memref<419430400xf32, #tpu.memory_space<hbm>> -> memref<512xf32, #tpu.memory_space<hbm>>
        %parallel_loop3A_236 = tpu.memref_slice %arg5[%parallel_loop3A_227] : memref<30720xf32, #tpu.memory_space<vmem>> -> memref<512xf32, #tpu.memory_space<vmem>>
        tpu.enqueue_dma source(%parallel_loop3A_236 : memref<512xf32, #tpu.memory_space<vmem>>) target(%parallel_loop3A_235 : memref<512xf32, #tpu.memory_space<hbm>>) target_semaphore(%arg13 : memref<!tpu.dma_semaphore, #tpu.memory_space<semaphore_mem>>)
        %parallel_loop3A_237 = vector.extract_strided_slice %parallel_loop3A_185 {offsets = [4], sizes = [1], strides = [1]} : vector<16xi32> to vector<1xi32>
        %parallel_loop3A_238 = vector.extract %parallel_loop3A_237[0] : i32 from vector<1xi32>
        %parallel_loop3A_239 = tpu.assume_multiple %parallel_loop3A_238, 512 : i32
        %parallel_loop3A_240 = arith.constant 4 : i32
        %parallel_loop3A_241 = arith.addi %parallel_loop3A_188, %parallel_loop3A_240 : i32
        %parallel_loop3A_242 = arith.constant 512 : i32
        %parallel_loop3A_243 = arith.muli %parallel_loop3A_241, %parallel_loop3A_242 : i32
        %parallel_loop3A_244 = tpu.assume_multiple %parallel_loop3A_243, 512 : i32
        %parallel_loop3A_245 = tpu.memref_slice %arg5[%parallel_loop3A_239] : memref<30720xf32, #tpu.memory_space<vmem>> -> memref<512xf32, #tpu.memory_space<vmem>>
        %parallel_loop3A_246 = tpu.memref_slice %arg4[%parallel_loop3A_244] : memref<419430400xf32, #tpu.memory_space<hbm>> -> memref<512xf32, #tpu.memory_space<hbm>>
        %parallel_loop3A_247 = tpu.memref_slice %arg4[%parallel_loop3A_244] : memref<419430400xf32, #tpu.memory_space<hbm>> -> memref<512xf32, #tpu.memory_space<hbm>>
        %parallel_loop3A_248 = tpu.memref_slice %arg5[%parallel_loop3A_239] : memref<30720xf32, #tpu.memory_space<vmem>> -> memref<512xf32, #tpu.memory_space<vmem>>
        tpu.enqueue_dma source(%parallel_loop3A_248 : memref<512xf32, #tpu.memory_space<vmem>>) target(%parallel_loop3A_247 : memref<512xf32, #tpu.memory_space<hbm>>) target_semaphore(%arg13 : memref<!tpu.dma_semaphore, #tpu.memory_space<semaphore_mem>>)
        %parallel_loop3A_249 = vector.extract_strided_slice %parallel_loop3A_185 {offsets = [5], sizes = [1], strides = [1]} : vector<16xi32> to vector<1xi32>
        %parallel_loop3A_250 = vector.extract %parallel_loop3A_249[0] : i32 from vector<1xi32>
        %parallel_loop3A_251 = tpu.assume_multiple %parallel_loop3A_250, 512 : i32
        %parallel_loop3A_252 = arith.constant 5 : i32
        %parallel_loop3A_253 = arith.addi %parallel_loop3A_188, %parallel_loop3A_252 : i32
        %parallel_loop3A_254 = arith.constant 512 : i32
        %parallel_loop3A_255 = arith.muli %parallel_loop3A_253, %parallel_loop3A_254 : i32
        %parallel_loop3A_256 = tpu.assume_multiple %parallel_loop3A_255, 512 : i32
        %parallel_loop3A_257 = tpu.memref_slice %arg5[%parallel_loop3A_251] : memref<30720xf32, #tpu.memory_space<vmem>> -> memref<512xf32, #tpu.memory_space<vmem>>
        %parallel_loop3A_258 = tpu.memref_slice %arg4[%parallel_loop3A_256] : memref<419430400xf32, #tpu.memory_space<hbm>> -> memref<512xf32, #tpu.memory_space<hbm>>
        %parallel_loop3A_259 = tpu.memref_slice %arg4[%parallel_loop3A_256] : memref<419430400xf32, #tpu.memory_space<hbm>> -> memref<512xf32, #tpu.memory_space<hbm>>
        %parallel_loop3A_260 = tpu.memref_slice %arg5[%parallel_loop3A_251] : memref<30720xf32, #tpu.memory_space<vmem>> -> memref<512xf32, #tpu.memory_space<vmem>>
        tpu.enqueue_dma source(%parallel_loop3A_260 : memref<512xf32, #tpu.memory_space<vmem>>) target(%parallel_loop3A_259 : memref<512xf32, #tpu.memory_space<hbm>>) target_semaphore(%arg13 : memref<!tpu.dma_semaphore, #tpu.memory_space<semaphore_mem>>)
        %parallel_loop3A_261 = vector.extract_strided_slice %parallel_loop3A_185 {offsets = [6], sizes = [1], strides = [1]} : vector<16xi32> to vector<1xi32>
        %parallel_loop3A_262 = vector.extract %parallel_loop3A_261[0] : i32 from vector<1xi32>
        %parallel_loop3A_263 = tpu.assume_multiple %parallel_loop3A_262, 512 : i32
        %parallel_loop3A_264 = arith.constant 6 : i32
        %parallel_loop3A_265 = arith.addi %parallel_loop3A_188, %parallel_loop3A_264 : i32
        %parallel_loop3A_266 = arith.constant 512 : i32
        %parallel_loop3A_267 = arith.muli %parallel_loop3A_265, %parallel_loop3A_266 : i32
        %parallel_loop3A_268 = tpu.assume_multiple %parallel_loop3A_267, 512 : i32
        %parallel_loop3A_269 = tpu.memref_slice %arg5[%parallel_loop3A_263] : memref<30720xf32, #tpu.memory_space<vmem>> -> memref<512xf32, #tpu.memory_space<vmem>>
        %parallel_loop3A_270 = tpu.memref_slice %arg4[%parallel_loop3A_268] : memref<419430400xf32, #tpu.memory_space<hbm>> -> memref<512xf32, #tpu.memory_space<hbm>>
        %parallel_loop3A_271 = tpu.memref_slice %arg4[%parallel_loop3A_268] : memref<419430400xf32, #tpu.memory_space<hbm>> -> memref<512xf32, #tpu.memory_space<hbm>>
        %parallel_loop3A_272 = tpu.memref_slice %arg5[%parallel_loop3A_263] : memref<30720xf32, #tpu.memory_space<vmem>> -> memref<512xf32, #tpu.memory_space<vmem>>
        tpu.enqueue_dma source(%parallel_loop3A_272 : memref<512xf32, #tpu.memory_space<vmem>>) target(%parallel_loop3A_271 : memref<512xf32, #tpu.memory_space<hbm>>) target_semaphore(%arg13 : memref<!tpu.dma_semaphore, #tpu.memory_space<semaphore_mem>>)
        %parallel_loop3A_273 = vector.extract_strided_slice %parallel_loop3A_185 {offsets = [7], sizes = [1], strides = [1]} : vector<16xi32> to vector<1xi32>
        %parallel_loop3A_274 = vector.extract %parallel_loop3A_273[0] : i32 from vector<1xi32>
        %parallel_loop3A_275 = tpu.assume_multiple %parallel_loop3A_274, 512 : i32
        %parallel_loop3A_276 = arith.constant 7 : i32
        %parallel_loop3A_277 = arith.addi %parallel_loop3A_188, %parallel_loop3A_276 : i32
        %parallel_loop3A_278 = arith.constant 512 : i32
        %parallel_loop3A_279 = arith.muli %parallel_loop3A_277, %parallel_loop3A_278 : i32
        %parallel_loop3A_280 = tpu.assume_multiple %parallel_loop3A_279, 512 : i32
        %parallel_loop3A_281 = tpu.memref_slice %arg5[%parallel_loop3A_275] : memref<30720xf32, #tpu.memory_space<vmem>> -> memref<512xf32, #tpu.memory_space<vmem>>
        %parallel_loop3A_282 = tpu.memref_slice %arg4[%parallel_loop3A_280] : memref<419430400xf32, #tpu.memory_space<hbm>> -> memref<512xf32, #tpu.memory_space<hbm>>
        %parallel_loop3A_283 = tpu.memref_slice %arg4[%parallel_loop3A_280] : memref<419430400xf32, #tpu.memory_space<hbm>> -> memref<512xf32, #tpu.memory_space<hbm>>
        %parallel_loop3A_284 = tpu.memref_slice %arg5[%parallel_loop3A_275] : memref<30720xf32, #tpu.memory_space<vmem>> -> memref<512xf32, #tpu.memory_space<vmem>>
        tpu.enqueue_dma source(%parallel_loop3A_284 : memref<512xf32, #tpu.memory_space<vmem>>) target(%parallel_loop3A_283 : memref<512xf32, #tpu.memory_space<hbm>>) target_semaphore(%arg13 : memref<!tpu.dma_semaphore, #tpu.memory_space<semaphore_mem>>)
        %parallel_loop3A_285 = vector.extract_strided_slice %parallel_loop3A_185 {offsets = [8], sizes = [1], strides = [1]} : vector<16xi32> to vector<1xi32>
        %parallel_loop3A_286 = vector.extract %parallel_loop3A_285[0] : i32 from vector<1xi32>
        %parallel_loop3A_287 = tpu.assume_multiple %parallel_loop3A_286, 512 : i32
        %parallel_loop3A_288 = arith.constant 8 : i32
        %parallel_loop3A_289 = arith.addi %parallel_loop3A_188, %parallel_loop3A_288 : i32
        %parallel_loop3A_290 = arith.constant 512 : i32
        %parallel_loop3A_291 = arith.muli %parallel_loop3A_289, %parallel_loop3A_290 : i32
        %parallel_loop3A_292 = tpu.assume_multiple %parallel_loop3A_291, 512 : i32
        %parallel_loop3A_293 = tpu.memref_slice %arg5[%parallel_loop3A_287] : memref<30720xf32, #tpu.memory_space<vmem>> -> memref<512xf32, #tpu.memory_space<vmem>>
        %parallel_loop3A_294 = tpu.memref_slice %arg4[%parallel_loop3A_292] : memref<419430400xf32, #tpu.memory_space<hbm>> -> memref<512xf32, #tpu.memory_space<hbm>>
        %parallel_loop3A_295 = tpu.memref_slice %arg4[%parallel_loop3A_292] : memref<419430400xf32, #tpu.memory_space<hbm>> -> memref<512xf32, #tpu.memory_space<hbm>>
        %parallel_loop3A_296 = tpu.memref_slice %arg5[%parallel_loop3A_287] : memref<30720xf32, #tpu.memory_space<vmem>> -> memref<512xf32, #tpu.memory_space<vmem>>
        tpu.enqueue_dma source(%parallel_loop3A_296 : memref<512xf32, #tpu.memory_space<vmem>>) target(%parallel_loop3A_295 : memref<512xf32, #tpu.memory_space<hbm>>) target_semaphore(%arg13 : memref<!tpu.dma_semaphore, #tpu.memory_space<semaphore_mem>>)
        %parallel_loop3A_297 = vector.extract_strided_slice %parallel_loop3A_185 {offsets = [9], sizes = [1], strides = [1]} : vector<16xi32> to vector<1xi32>
        %parallel_loop3A_298 = vector.extract %parallel_loop3A_297[0] : i32 from vector<1xi32>
        %parallel_loop3A_299 = tpu.assume_multiple %parallel_loop3A_298, 512 : i32
        %parallel_loop3A_300 = arith.constant 9 : i32
        %parallel_loop3A_301 = arith.addi %parallel_loop3A_188, %parallel_loop3A_300 : i32
        %parallel_loop3A_302 = arith.constant 512 : i32
        %parallel_loop3A_303 = arith.muli %parallel_loop3A_301, %parallel_loop3A_302 : i32
        %parallel_loop3A_304 = tpu.assume_multiple %parallel_loop3A_303, 512 : i32
        %parallel_loop3A_305 = tpu.memref_slice %arg5[%parallel_loop3A_299] : memref<30720xf32, #tpu.memory_space<vmem>> -> memref<512xf32, #tpu.memory_space<vmem>>
        %parallel_loop3A_306 = tpu.memref_slice %arg4[%parallel_loop3A_304] : memref<419430400xf32, #tpu.memory_space<hbm>> -> memref<512xf32, #tpu.memory_space<hbm>>
        %parallel_loop3A_307 = tpu.memref_slice %arg4[%parallel_loop3A_304] : memref<419430400xf32, #tpu.memory_space<hbm>> -> memref<512xf32, #tpu.memory_space<hbm>>
        %parallel_loop3A_308 = tpu.memref_slice %arg5[%parallel_loop3A_299] : memref<30720xf32, #tpu.memory_space<vmem>> -> memref<512xf32, #tpu.memory_space<vmem>>
        tpu.enqueue_dma source(%parallel_loop3A_308 : memref<512xf32, #tpu.memory_space<vmem>>) target(%parallel_loop3A_307 : memref<512xf32, #tpu.memory_space<hbm>>) target_semaphore(%arg13 : memref<!tpu.dma_semaphore, #tpu.memory_space<semaphore_mem>>)
        %parallel_loop3A_309 = vector.extract_strided_slice %parallel_loop3A_185 {offsets = [10], sizes = [1], strides = [1]} : vector<16xi32> to vector<1xi32>
        %parallel_loop3A_310 = vector.extract %parallel_loop3A_309[0] : i32 from vector<1xi32>
        %parallel_loop3A_311 = tpu.assume_multiple %parallel_loop3A_310, 512 : i32
        %parallel_loop3A_312 = arith.constant 10 : i32
        %parallel_loop3A_313 = arith.addi %parallel_loop3A_188, %parallel_loop3A_312 : i32
        %parallel_loop3A_314 = arith.constant 512 : i32
        %parallel_loop3A_315 = arith.muli %parallel_loop3A_313, %parallel_loop3A_314 : i32
        %parallel_loop3A_316 = tpu.assume_multiple %parallel_loop3A_315, 512 : i32
        %parallel_loop3A_317 = tpu.memref_slice %arg5[%parallel_loop3A_311] : memref<30720xf32, #tpu.memory_space<vmem>> -> memref<512xf32, #tpu.memory_space<vmem>>
        %parallel_loop3A_318 = tpu.memref_slice %arg4[%parallel_loop3A_316] : memref<419430400xf32, #tpu.memory_space<hbm>> -> memref<512xf32, #tpu.memory_space<hbm>>
        %parallel_loop3A_319 = tpu.memref_slice %arg4[%parallel_loop3A_316] : memref<419430400xf32, #tpu.memory_space<hbm>> -> memref<512xf32, #tpu.memory_space<hbm>>
        %parallel_loop3A_320 = tpu.memref_slice %arg5[%parallel_loop3A_311] : memref<30720xf32, #tpu.memory_space<vmem>> -> memref<512xf32, #tpu.memory_space<vmem>>
        tpu.enqueue_dma source(%parallel_loop3A_320 : memref<512xf32, #tpu.memory_space<vmem>>) target(%parallel_loop3A_319 : memref<512xf32, #tpu.memory_space<hbm>>) target_semaphore(%arg13 : memref<!tpu.dma_semaphore, #tpu.memory_space<semaphore_mem>>)
        %parallel_loop3A_321 = vector.extract_strided_slice %parallel_loop3A_185 {offsets = [11], sizes = [1], strides = [1]} : vector<16xi32> to vector<1xi32>
        %parallel_loop3A_322 = vector.extract %parallel_loop3A_321[0] : i32 from vector<1xi32>
        %parallel_loop3A_323 = tpu.assume_multiple %parallel_loop3A_322, 512 : i32
        %parallel_loop3A_324 = arith.constant 11 : i32
        %parallel_loop3A_325 = arith.addi %parallel_loop3A_188, %parallel_loop3A_324 : i32
        %parallel_loop3A_326 = arith.constant 512 : i32
        %parallel_loop3A_327 = arith.muli %parallel_loop3A_325, %parallel_loop3A_326 : i32
        %parallel_loop3A_328 = tpu.assume_multiple %parallel_loop3A_327, 512 : i32
        %parallel_loop3A_329 = tpu.memref_slice %arg5[%parallel_loop3A_323] : memref<30720xf32, #tpu.memory_space<vmem>> -> memref<512xf32, #tpu.memory_space<vmem>>
        %parallel_loop3A_330 = tpu.memref_slice %arg4[%parallel_loop3A_328] : memref<419430400xf32, #tpu.memory_space<hbm>> -> memref<512xf32, #tpu.memory_space<hbm>>
        %parallel_loop3A_331 = tpu.memref_slice %arg4[%parallel_loop3A_328] : memref<419430400xf32, #tpu.memory_space<hbm>> -> memref<512xf32, #tpu.memory_space<hbm>>
        %parallel_loop3A_332 = tpu.memref_slice %arg5[%parallel_loop3A_323] : memref<30720xf32, #tpu.memory_space<vmem>> -> memref<512xf32, #tpu.memory_space<vmem>>
        tpu.enqueue_dma source(%parallel_loop3A_332 : memref<512xf32, #tpu.memory_space<vmem>>) target(%parallel_loop3A_331 : memref<512xf32, #tpu.memory_space<hbm>>) target_semaphore(%arg13 : memref<!tpu.dma_semaphore, #tpu.memory_space<semaphore_mem>>)
        %parallel_loop3A_333 = vector.extract_strided_slice %parallel_loop3A_185 {offsets = [12], sizes = [1], strides = [1]} : vector<16xi32> to vector<1xi32>
        %parallel_loop3A_334 = vector.extract %parallel_loop3A_333[0] : i32 from vector<1xi32>
        %parallel_loop3A_335 = tpu.assume_multiple %parallel_loop3A_334, 512 : i32
        %parallel_loop3A_336 = arith.constant 12 : i32
        %parallel_loop3A_337 = arith.addi %parallel_loop3A_188, %parallel_loop3A_336 : i32
        %parallel_loop3A_338 = arith.constant 512 : i32
        %parallel_loop3A_339 = arith.muli %parallel_loop3A_337, %parallel_loop3A_338 : i32
        %parallel_loop3A_340 = tpu.assume_multiple %parallel_loop3A_339, 512 : i32
        %parallel_loop3A_341 = tpu.memref_slice %arg5[%parallel_loop3A_335] : memref<30720xf32, #tpu.memory_space<vmem>> -> memref<512xf32, #tpu.memory_space<vmem>>
        %parallel_loop3A_342 = tpu.memref_slice %arg4[%parallel_loop3A_340] : memref<419430400xf32, #tpu.memory_space<hbm>> -> memref<512xf32, #tpu.memory_space<hbm>>
        %parallel_loop3A_343 = tpu.memref_slice %arg4[%parallel_loop3A_340] : memref<419430400xf32, #tpu.memory_space<hbm>> -> memref<512xf32, #tpu.memory_space<hbm>>
        %parallel_loop3A_344 = tpu.memref_slice %arg5[%parallel_loop3A_335] : memref<30720xf32, #tpu.memory_space<vmem>> -> memref<512xf32, #tpu.memory_space<vmem>>
        tpu.enqueue_dma source(%parallel_loop3A_344 : memref<512xf32, #tpu.memory_space<vmem>>) target(%parallel_loop3A_343 : memref<512xf32, #tpu.memory_space<hbm>>) target_semaphore(%arg13 : memref<!tpu.dma_semaphore, #tpu.memory_space<semaphore_mem>>)
        %parallel_loop3A_345 = vector.extract_strided_slice %parallel_loop3A_185 {offsets = [13], sizes = [1], strides = [1]} : vector<16xi32> to vector<1xi32>
        %parallel_loop3A_346 = vector.extract %parallel_loop3A_345[0] : i32 from vector<1xi32>
        %parallel_loop3A_347 = tpu.assume_multiple %parallel_loop3A_346, 512 : i32
        %parallel_loop3A_348 = arith.constant 13 : i32
        %parallel_loop3A_349 = arith.addi %parallel_loop3A_188, %parallel_loop3A_348 : i32
        %parallel_loop3A_350 = arith.constant 512 : i32
        %parallel_loop3A_351 = arith.muli %parallel_loop3A_349, %parallel_loop3A_350 : i32
        %parallel_loop3A_352 = tpu.assume_multiple %parallel_loop3A_351, 512 : i32
        %parallel_loop3A_353 = tpu.memref_slice %arg5[%parallel_loop3A_347] : memref<30720xf32, #tpu.memory_space<vmem>> -> memref<512xf32, #tpu.memory_space<vmem>>
        %parallel_loop3A_354 = tpu.memref_slice %arg4[%parallel_loop3A_352] : memref<419430400xf32, #tpu.memory_space<hbm>> -> memref<512xf32, #tpu.memory_space<hbm>>
        %parallel_loop3A_355 = tpu.memref_slice %arg4[%parallel_loop3A_352] : memref<419430400xf32, #tpu.memory_space<hbm>> -> memref<512xf32, #tpu.memory_space<hbm>>
        %parallel_loop3A_356 = tpu.memref_slice %arg5[%parallel_loop3A_347] : memref<30720xf32, #tpu.memory_space<vmem>> -> memref<512xf32, #tpu.memory_space<vmem>>
        tpu.enqueue_dma source(%parallel_loop3A_356 : memref<512xf32, #tpu.memory_space<vmem>>) target(%parallel_loop3A_355 : memref<512xf32, #tpu.memory_space<hbm>>) target_semaphore(%arg13 : memref<!tpu.dma_semaphore, #tpu.memory_space<semaphore_mem>>)
        %parallel_loop3A_357 = vector.extract_strided_slice %parallel_loop3A_185 {offsets = [14], sizes = [1], strides = [1]} : vector<16xi32> to vector<1xi32>
        %parallel_loop3A_358 = vector.extract %parallel_loop3A_357[0] : i32 from vector<1xi32>
        %parallel_loop3A_359 = tpu.assume_multiple %parallel_loop3A_358, 512 : i32
        %parallel_loop3A_360 = arith.constant 14 : i32
        %parallel_loop3A_361 = arith.addi %parallel_loop3A_188, %parallel_loop3A_360 : i32
        %parallel_loop3A_362 = arith.constant 512 : i32
        %parallel_loop3A_363 = arith.muli %parallel_loop3A_361, %parallel_loop3A_362 : i32
        %parallel_loop3A_364 = tpu.assume_multiple %parallel_loop3A_363, 512 : i32
        %parallel_loop3A_365 = tpu.memref_slice %arg5[%parallel_loop3A_359] : memref<30720xf32, #tpu.memory_space<vmem>> -> memref<512xf32, #tpu.memory_space<vmem>>
        %parallel_loop3A_366 = tpu.memref_slice %arg4[%parallel_loop3A_364] : memref<419430400xf32, #tpu.memory_space<hbm>> -> memref<512xf32, #tpu.memory_space<hbm>>
        %parallel_loop3A_367 = tpu.memref_slice %arg4[%parallel_loop3A_364] : memref<419430400xf32, #tpu.memory_space<hbm>> -> memref<512xf32, #tpu.memory_space<hbm>>
        %parallel_loop3A_368 = tpu.memref_slice %arg5[%parallel_loop3A_359] : memref<30720xf32, #tpu.memory_space<vmem>> -> memref<512xf32, #tpu.memory_space<vmem>>
        tpu.enqueue_dma source(%parallel_loop3A_368 : memref<512xf32, #tpu.memory_space<vmem>>) target(%parallel_loop3A_367 : memref<512xf32, #tpu.memory_space<hbm>>) target_semaphore(%arg13 : memref<!tpu.dma_semaphore, #tpu.memory_space<semaphore_mem>>)
        %parallel_loop3A_369 = vector.extract_strided_slice %parallel_loop3A_185 {offsets = [15], sizes = [1], strides = [1]} : vector<16xi32> to vector<1xi32>
        %parallel_loop3A_370 = vector.extract %parallel_loop3A_369[0] : i32 from vector<1xi32>
        %parallel_loop3A_371 = tpu.assume_multiple %parallel_loop3A_370, 512 : i32
        %parallel_loop3A_372 = arith.constant 15 : i32
        %parallel_loop3A_373 = arith.addi %parallel_loop3A_188, %parallel_loop3A_372 : i32
        %parallel_loop3A_374 = arith.constant 512 : i32
        %parallel_loop3A_375 = arith.muli %parallel_loop3A_373, %parallel_loop3A_374 : i32
        %parallel_loop3A_376 = tpu.assume_multiple %parallel_loop3A_375, 512 : i32
        %parallel_loop3A_377 = tpu.memref_slice %arg5[%parallel_loop3A_371] : memref<30720xf32, #tpu.memory_space<vmem>> -> memref<512xf32, #tpu.memory_space<vmem>>
        %parallel_loop3A_378 = tpu.memref_slice %arg4[%parallel_loop3A_376] : memref<419430400xf32, #tpu.memory_space<hbm>> -> memref<512xf32, #tpu.memory_space<hbm>>
        %parallel_loop3A_379 = tpu.memref_slice %arg4[%parallel_loop3A_376] : memref<419430400xf32, #tpu.memory_space<hbm>> -> memref<512xf32, #tpu.memory_space<hbm>>
        %parallel_loop3A_380 = tpu.memref_slice %arg5[%parallel_loop3A_371] : memref<30720xf32, #tpu.memory_space<vmem>> -> memref<512xf32, #tpu.memory_space<vmem>>
        tpu.enqueue_dma source(%parallel_loop3A_380 : memref<512xf32, #tpu.memory_space<vmem>>) target(%parallel_loop3A_379 : memref<512xf32, #tpu.memory_space<hbm>>) target_semaphore(%arg13 : memref<!tpu.dma_semaphore, #tpu.memory_space<semaphore_mem>>)
      } {sc.loop_unroll_factor = 1 : i64, sc.parallel_access}
      %mul3A_100 = arith.constant 2 : i32
      %mul3A_101 = arith.muli %mul3A_100, %scan3A_25 : i32
      %add3A_102 = arith.constant 1 : i32
      %add3A_103 = arith.addi %mul3A_101, %add3A_102 : i32
      %mul3A_104 = arith.constant 80 : i32
      %mul3A_105 = arith.muli %add3A_103, %mul3A_104 : i32
      %add3A_106 = arith.addi %mul3A_2, %mul3A_105 : i32
      %dma_wait3A_107 = arith.constant 0 : i32
      %dma_wait3A_108 = tpu.memref_slice %arg2[%dma_wait3A_107] : memref<3276800xi32, #tpu.memory_space<hbm>> -> memref<320xi32, #tpu.memory_space<hbm>>
      %dma_wait3A_109 = arith.constant 0 : i32
      %dma_wait3A_110 = tpu.memref_slice %arg2[%dma_wait3A_109] : memref<3276800xi32, #tpu.memory_space<hbm>> -> memref<320xi32, #tpu.memory_space<hbm>>
      tpu.wait_dma2 semaphore(%arg12 : memref<!tpu.dma_semaphore, #tpu.memory_space<semaphore_mem>>) src(%dma_wait3A_110 : memref<320xi32, #tpu.memory_space<hbm>>) dst(%arg8 : memref<320xi32, #tpu.memory_space<vmem>>)
      %mul3A_111 = arith.constant 4 : i32
      %mul3A_112 = vector.broadcast %mul3A_111 : i32 to vector<16xi32>
      %mul3A_113 = arith.muli %iota3A, %mul3A_112 : vector<16xi32>
      %add3A_114 = arith.constant 1 : i32
      %add3A_115 = vector.broadcast %add3A_114 : i32 to vector<16xi32>
      %add3A_116 = arith.addi %mul3A_113, %add3A_115 : vector<16xi32>
      %gather3A_117 = tpu.vector_load_idx %arg8[%add3A_116] : memref<320xi32, #tpu.memory_space<vmem>>[vector<16xi32>], vector<16xi32>,
      %mul3A_118 = arith.constant 512 : i32
      %mul3A_119 = vector.broadcast %mul3A_118 : i32 to vector<16xi32>
      %mul3A_120 = arith.muli %gather3A_117, %mul3A_119 : vector<16xi32>
      %swap3A_121 = arith.constant 0 : index
      %swap3A_122 = tpu.vector_load %arg10[%swap3A_121] {strides = array<i32>} : memref<96xi32, #tpu.memory_space<vmem>>, vector<16xi32>,
      tpu.vector_store %arg10[%swap3A_121], %mul3A_120 {strides = array<i32>} : memref<96xi32, #tpu.memory_space<vmem>>, vector<16xi32>,
      %mul3A_123 = arith.constant 4 : i32
      %mul3A_124 = vector.broadcast %mul3A_123 : i32 to vector<16xi32>
      %mul3A_125 = arith.muli %iota3A, %mul3A_124 : vector<16xi32>
      %add3A_126 = arith.constant 65 : i32
      %add3A_127 = vector.broadcast %add3A_126 : i32 to vector<16xi32>
      %add3A_128 = arith.addi %mul3A_125, %add3A_127 : vector<16xi32>
      %gather3A_129 = tpu.vector_load_idx %arg8[%add3A_128] : memref<320xi32, #tpu.memory_space<vmem>>[vector<16xi32>], vector<16xi32>,
      %mul3A_130 = arith.constant 512 : i32
      %mul3A_131 = vector.broadcast %mul3A_130 : i32 to vector<16xi32>
      %mul3A_132 = arith.muli %gather3A_129, %mul3A_131 : vector<16xi32>
      %swap3A_133 = arith.constant 16 : index
      %swap3A_134 = tpu.vector_load %arg10[%swap3A_133] {strides = array<i32>} : memref<96xi32, #tpu.memory_space<vmem>>, vector<16xi32>,
      tpu.vector_store %arg10[%swap3A_133], %mul3A_132 {strides = array<i32>} : memref<96xi32, #tpu.memory_space<vmem>>, vector<16xi32>,
      %mul3A_135 = arith.constant 4 : i32
      %mul3A_136 = vector.broadcast %mul3A_135 : i32 to vector<16xi32>
      %mul3A_137 = arith.muli %iota3A, %mul3A_136 : vector<16xi32>
      %add3A_138 = arith.constant 129 : i32
      %add3A_139 = vector.broadcast %add3A_138 : i32 to vector<16xi32>
      %add3A_140 = arith.addi %mul3A_137, %add3A_139 : vector<16xi32>
      %gather3A_141 = tpu.vector_load_idx %arg8[%add3A_140] : memref<320xi32, #tpu.memory_space<vmem>>[vector<16xi32>], vector<16xi32>,
      %mul3A_142 = arith.constant 512 : i32
      %mul3A_143 = vector.broadcast %mul3A_142 : i32 to vector<16xi32>
      %mul3A_144 = arith.muli %gather3A_141, %mul3A_143 : vector<16xi32>
      %swap3A_145 = arith.constant 32 : index
      %swap3A_146 = tpu.vector_load %arg10[%swap3A_145] {strides = array<i32>} : memref<96xi32, #tpu.memory_space<vmem>>, vector<16xi32>,
      tpu.vector_store %arg10[%swap3A_145], %mul3A_144 {strides = array<i32>} : memref<96xi32, #tpu.memory_space<vmem>>, vector<16xi32>,
      %mul3A_147 = arith.constant 4 : i32
      %mul3A_148 = vector.broadcast %mul3A_147 : i32 to vector<16xi32>
      %mul3A_149 = arith.muli %iota3A, %mul3A_148 : vector<16xi32>
      %add3A_150 = arith.constant 193 : i32
      %add3A_151 = vector.broadcast %add3A_150 : i32 to vector<16xi32>
      %add3A_152 = arith.addi %mul3A_149, %add3A_151 : vector<16xi32>
      %gather3A_153 = tpu.vector_load_idx %arg8[%add3A_152] : memref<320xi32, #tpu.memory_space<vmem>>[vector<16xi32>], vector<16xi32>,
      %mul3A_154 = arith.constant 512 : i32
      %mul3A_155 = vector.broadcast %mul3A_154 : i32 to vector<16xi32>
      %mul3A_156 = arith.muli %gather3A_153, %mul3A_155 : vector<16xi32>
      %swap3A_157 = arith.constant 48 : index
      %swap3A_158 = tpu.vector_load %arg10[%swap3A_157] {strides = array<i32>} : memref<96xi32, #tpu.memory_space<vmem>>, vector<16xi32>,
      tpu.vector_store %arg10[%swap3A_157], %mul3A_156 {strides = array<i32>} : memref<96xi32, #tpu.memory_space<vmem>>, vector<16xi32>,
      %mul3A_159 = arith.constant 4 : i32
      %mul3A_160 = vector.broadcast %mul3A_159 : i32 to vector<16xi32>
      %mul3A_161 = arith.muli %iota3A, %mul3A_160 : vector<16xi32>
      %add3A_162 = arith.constant 257 : i32
      %add3A_163 = vector.broadcast %add3A_162 : i32 to vector<16xi32>
      %add3A_164 = arith.addi %mul3A_161, %add3A_163 : vector<16xi32>
      %gather3A_165 = tpu.vector_load_idx %arg8[%add3A_164] : memref<320xi32, #tpu.memory_space<vmem>>[vector<16xi32>], vector<16xi32>,
      %mul3A_166 = arith.constant 512 : i32
      %mul3A_167 = vector.broadcast %mul3A_166 : i32 to vector<16xi32>
      %mul3A_168 = arith.muli %gather3A_165, %mul3A_167 : vector<16xi32>
      %swap3A_169 = arith.constant 64 : index
      %swap3A_170 = tpu.vector_load %arg10[%swap3A_169] {strides = array<i32>} : memref<96xi32, #tpu.memory_space<vmem>>, vector<16xi32>,
      tpu.vector_store %arg10[%swap3A_169], %mul3A_168 {strides = array<i32>} : memref<96xi32, #tpu.memory_space<vmem>>, vector<16xi32>,
      %add3A_171 = arith.constant 2 : i32
      %add3A_172 = arith.addi %add3A_103, %add3A_171 : i32
      %lt3A_173 = arith.constant 320 : i32
      %lt3A_174 = arith.cmpi slt, %add3A_172, %lt3A_173 : i32
      %convert_element_type3A_175 = arith.extui %lt3A_174 : i1 to i32
      %cond3A_176 = arith.constant 0 : i32
      %cond3A_177 = arith.cmpi ne, %convert_element_type3A_175, %cond3A_176 : i32
      scf.if %cond3A_177 {
        %add3A_181 = arith.constant 2 : i32
        %add3A_182 = arith.addi %add3A_103, %add3A_181 : i32
        %mul3A_183 = arith.constant 80 : i32
        %mul3A_184 = arith.muli %add3A_182, %mul3A_183 : i32
        %add3A_185 = arith.addi %mul3A_2, %mul3A_184 : i32
        %mul3A_186 = arith.constant 4 : i32
        %mul3A_187 = arith.muli %add3A_185, %mul3A_186 : i32
        %dma_start3A_188 = tpu.memref_slice %arg2[%mul3A_187] : memref<3276800xi32, #tpu.memory_space<hbm>> -> memref<320xi32, #tpu.memory_space<hbm>>
        %dma_start3A_189 = tpu.memref_slice %arg2[%mul3A_187] : memref<3276800xi32, #tpu.memory_space<hbm>> -> memref<320xi32, #tpu.memory_space<hbm>>
        tpu.enqueue_dma source(%dma_start3A_189 : memref<320xi32, #tpu.memory_space<hbm>>) target(%arg8 : memref<320xi32, #tpu.memory_space<vmem>>) target_semaphore(%arg12 : memref<!tpu.dma_semaphore, #tpu.memory_space<semaphore_mem>>)
      } else {
      }
      %parallel_loop3A_178 = arith.constant 0 : i32
      %parallel_loop3A_179 = arith.constant 5 : i32
      %parallel_loop3A_180 = arith.constant 1 : i32
      scf.for %parallel_loop3A_181 = %parallel_loop3A_178 to %parallel_loop3A_179 step %parallel_loop3A_180  : i32 {
        %parallel_loop3A_182 = arith.constant 16 : i32
        %parallel_loop3A_183 = arith.muli %parallel_loop3A_181, %parallel_loop3A_182 : i32
        %parallel_loop3A_184 = arith.index_cast %parallel_loop3A_183 : i32 to index
        %parallel_loop3A_185 = tpu.vector_load %arg10[%parallel_loop3A_184] {strides = array<i32>} : memref<96xi32, #tpu.memory_space<vmem>>, vector<16xi32>,
        %parallel_loop3A_186 = arith.constant 16 : i32
        %parallel_loop3A_187 = arith.muli %parallel_loop3A_181, %parallel_loop3A_186 : i32
        %parallel_loop3A_188 = arith.addi %add3A_106, %parallel_loop3A_187 : i32
        %parallel_loop3A_189 = vector.extract_strided_slice %parallel_loop3A_185 {offsets = [0], sizes = [1], strides = [1]} : vector<16xi32> to vector<1xi32>
        %parallel_loop3A_190 = vector.extract %parallel_loop3A_189[0] : i32 from vector<1xi32>
        %parallel_loop3A_191 = tpu.assume_multiple %parallel_loop3A_190, 512 : i32
        %parallel_loop3A_192 = arith.constant 0 : i32
        %parallel_loop3A_193 = arith.addi %parallel_loop3A_188, %parallel_loop3A_192 : i32
        %parallel_loop3A_194 = arith.constant 512 : i32
        %parallel_loop3A_195 = arith.muli %parallel_loop3A_193, %parallel_loop3A_194 : i32
        %parallel_loop3A_196 = tpu.assume_multiple %parallel_loop3A_195, 512 : i32
        %parallel_loop3A_197 = tpu.memref_slice %arg5[%parallel_loop3A_191] : memref<30720xf32, #tpu.memory_space<vmem>> -> memref<512xf32, #tpu.memory_space<vmem>>
        %parallel_loop3A_198 = tpu.memref_slice %arg4[%parallel_loop3A_196] : memref<419430400xf32, #tpu.memory_space<hbm>> -> memref<512xf32, #tpu.memory_space<hbm>>
        %parallel_loop3A_199 = tpu.memref_slice %arg4[%parallel_loop3A_196] : memref<419430400xf32, #tpu.memory_space<hbm>> -> memref<512xf32, #tpu.memory_space<hbm>>
        %parallel_loop3A_200 = tpu.memref_slice %arg5[%parallel_loop3A_191] : memref<30720xf32, #tpu.memory_space<vmem>> -> memref<512xf32, #tpu.memory_space<vmem>>
        tpu.enqueue_dma source(%parallel_loop3A_200 : memref<512xf32, #tpu.memory_space<vmem>>) target(%parallel_loop3A_199 : memref<512xf32, #tpu.memory_space<hbm>>) target_semaphore(%arg13 : memref<!tpu.dma_semaphore, #tpu.memory_space<semaphore_mem>>)
        %parallel_loop3A_201 = vector.extract_strided_slice %parallel_loop3A_185 {offsets = [1], sizes = [1], strides = [1]} : vector<16xi32> to vector<1xi32>
        %parallel_loop3A_202 = vector.extract %parallel_loop3A_201[0] : i32 from vector<1xi32>
        %parallel_loop3A_203 = tpu.assume_multiple %parallel_loop3A_202, 512 : i32
        %parallel_loop3A_204 = arith.constant 1 : i32
        %parallel_loop3A_205 = arith.addi %parallel_loop3A_188, %parallel_loop3A_204 : i32
        %parallel_loop3A_206 = arith.constant 512 : i32
        %parallel_loop3A_207 = arith.muli %parallel_loop3A_205, %parallel_loop3A_206 : i32
        %parallel_loop3A_208 = tpu.assume_multiple %parallel_loop3A_207, 512 : i32
        %parallel_loop3A_209 = tpu.memref_slice %arg5[%parallel_loop3A_203] : memref<30720xf32, #tpu.memory_space<vmem>> -> memref<512xf32, #tpu.memory_space<vmem>>
        %parallel_loop3A_210 = tpu.memref_slice %arg4[%parallel_loop3A_208] : memref<419430400xf32, #tpu.memory_space<hbm>> -> memref<512xf32, #tpu.memory_space<hbm>>
        %parallel_loop3A_211 = tpu.memref_slice %arg4[%parallel_loop3A_208] : memref<419430400xf32, #tpu.memory_space<hbm>> -> memref<512xf32, #tpu.memory_space<hbm>>
        %parallel_loop3A_212 = tpu.memref_slice %arg5[%parallel_loop3A_203] : memref<30720xf32, #tpu.memory_space<vmem>> -> memref<512xf32, #tpu.memory_space<vmem>>
        tpu.enqueue_dma source(%parallel_loop3A_212 : memref<512xf32, #tpu.memory_space<vmem>>) target(%parallel_loop3A_211 : memref<512xf32, #tpu.memory_space<hbm>>) target_semaphore(%arg13 : memref<!tpu.dma_semaphore, #tpu.memory_space<semaphore_mem>>)
        %parallel_loop3A_213 = vector.extract_strided_slice %parallel_loop3A_185 {offsets = [2], sizes = [1], strides = [1]} : vector<16xi32> to vector<1xi32>
        %parallel_loop3A_214 = vector.extract %parallel_loop3A_213[0] : i32 from vector<1xi32>
        %parallel_loop3A_215 = tpu.assume_multiple %parallel_loop3A_214, 512 : i32
        %parallel_loop3A_216 = arith.constant 2 : i32
        %parallel_loop3A_217 = arith.addi %parallel_loop3A_188, %parallel_loop3A_216 : i32
        %parallel_loop3A_218 = arith.constant 512 : i32
        %parallel_loop3A_219 = arith.muli %parallel_loop3A_217, %parallel_loop3A_218 : i32
        %parallel_loop3A_220 = tpu.assume_multiple %parallel_loop3A_219, 512 : i32
        %parallel_loop3A_221 = tpu.memref_slice %arg5[%parallel_loop3A_215] : memref<30720xf32, #tpu.memory_space<vmem>> -> memref<512xf32, #tpu.memory_space<vmem>>
        %parallel_loop3A_222 = tpu.memref_slice %arg4[%parallel_loop3A_220] : memref<419430400xf32, #tpu.memory_space<hbm>> -> memref<512xf32, #tpu.memory_space<hbm>>
        %parallel_loop3A_223 = tpu.memref_slice %arg4[%parallel_loop3A_220] : memref<419430400xf32, #tpu.memory_space<hbm>> -> memref<512xf32, #tpu.memory_space<hbm>>
        %parallel_loop3A_224 = tpu.memref_slice %arg5[%parallel_loop3A_215] : memref<30720xf32, #tpu.memory_space<vmem>> -> memref<512xf32, #tpu.memory_space<vmem>>
        tpu.enqueue_dma source(%parallel_loop3A_224 : memref<512xf32, #tpu.memory_space<vmem>>) target(%parallel_loop3A_223 : memref<512xf32, #tpu.memory_space<hbm>>) target_semaphore(%arg13 : memref<!tpu.dma_semaphore, #tpu.memory_space<semaphore_mem>>)
        %parallel_loop3A_225 = vector.extract_strided_slice %parallel_loop3A_185 {offsets = [3], sizes = [1], strides = [1]} : vector<16xi32> to vector<1xi32>
        %parallel_loop3A_226 = vector.extract %parallel_loop3A_225[0] : i32 from vector<1xi32>
        %parallel_loop3A_227 = tpu.assume_multiple %parallel_loop3A_226, 512 : i32
        %parallel_loop3A_228 = arith.constant 3 : i32
        %parallel_loop3A_229 = arith.addi %parallel_loop3A_188, %parallel_loop3A_228 : i32
        %parallel_loop3A_230 = arith.constant 512 : i32
        %parallel_loop3A_231 = arith.muli %parallel_loop3A_229, %parallel_loop3A_230 : i32
        %parallel_loop3A_232 = tpu.assume_multiple %parallel_loop3A_231, 512 : i32
        %parallel_loop3A_233 = tpu.memref_slice %arg5[%parallel_loop3A_227] : memref<30720xf32, #tpu.memory_space<vmem>> -> memref<512xf32, #tpu.memory_space<vmem>>
        %parallel_loop3A_234 = tpu.memref_slice %arg4[%parallel_loop3A_232] : memref<419430400xf32, #tpu.memory_space<hbm>> -> memref<512xf32, #tpu.memory_space<hbm>>
        %parallel_loop3A_235 = tpu.memref_slice %arg4[%parallel_loop3A_232] : memref<419430400xf32, #tpu.memory_space<hbm>> -> memref<512xf32, #tpu.memory_space<hbm>>
        %parallel_loop3A_236 = tpu.memref_slice %arg5[%parallel_loop3A_227] : memref<30720xf32, #tpu.memory_space<vmem>> -> memref<512xf32, #tpu.memory_space<vmem>>
        tpu.enqueue_dma source(%parallel_loop3A_236 : memref<512xf32, #tpu.memory_space<vmem>>) target(%parallel_loop3A_235 : memref<512xf32, #tpu.memory_space<hbm>>) target_semaphore(%arg13 : memref<!tpu.dma_semaphore, #tpu.memory_space<semaphore_mem>>)
        %parallel_loop3A_237 = vector.extract_strided_slice %parallel_loop3A_185 {offsets = [4], sizes = [1], strides = [1]} : vector<16xi32> to vector<1xi32>
        %parallel_loop3A_238 = vector.extract %parallel_loop3A_237[0] : i32 from vector<1xi32>
        %parallel_loop3A_239 = tpu.assume_multiple %parallel_loop3A_238, 512 : i32
        %parallel_loop3A_240 = arith.constant 4 : i32
        %parallel_loop3A_241 = arith.addi %parallel_loop3A_188, %parallel_loop3A_240 : i32
        %parallel_loop3A_242 = arith.constant 512 : i32
        %parallel_loop3A_243 = arith.muli %parallel_loop3A_241, %parallel_loop3A_242 : i32
        %parallel_loop3A_244 = tpu.assume_multiple %parallel_loop3A_243, 512 : i32
        %parallel_loop3A_245 = tpu.memref_slice %arg5[%parallel_loop3A_239] : memref<30720xf32, #tpu.memory_space<vmem>> -> memref<512xf32, #tpu.memory_space<vmem>>
        %parallel_loop3A_246 = tpu.memref_slice %arg4[%parallel_loop3A_244] : memref<419430400xf32, #tpu.memory_space<hbm>> -> memref<512xf32, #tpu.memory_space<hbm>>
        %parallel_loop3A_247 = tpu.memref_slice %arg4[%parallel_loop3A_244] : memref<419430400xf32, #tpu.memory_space<hbm>> -> memref<512xf32, #tpu.memory_space<hbm>>
        %parallel_loop3A_248 = tpu.memref_slice %arg5[%parallel_loop3A_239] : memref<30720xf32, #tpu.memory_space<vmem>> -> memref<512xf32, #tpu.memory_space<vmem>>
        tpu.enqueue_dma source(%parallel_loop3A_248 : memref<512xf32, #tpu.memory_space<vmem>>) target(%parallel_loop3A_247 : memref<512xf32, #tpu.memory_space<hbm>>) target_semaphore(%arg13 : memref<!tpu.dma_semaphore, #tpu.memory_space<semaphore_mem>>)
        %parallel_loop3A_249 = vector.extract_strided_slice %parallel_loop3A_185 {offsets = [5], sizes = [1], strides = [1]} : vector<16xi32> to vector<1xi32>
        %parallel_loop3A_250 = vector.extract %parallel_loop3A_249[0] : i32 from vector<1xi32>
        %parallel_loop3A_251 = tpu.assume_multiple %parallel_loop3A_250, 512 : i32
        %parallel_loop3A_252 = arith.constant 5 : i32
        %parallel_loop3A_253 = arith.addi %parallel_loop3A_188, %parallel_loop3A_252 : i32
        %parallel_loop3A_254 = arith.constant 512 : i32
        %parallel_loop3A_255 = arith.muli %parallel_loop3A_253, %parallel_loop3A_254 : i32
        %parallel_loop3A_256 = tpu.assume_multiple %parallel_loop3A_255, 512 : i32
        %parallel_loop3A_257 = tpu.memref_slice %arg5[%parallel_loop3A_251] : memref<30720xf32, #tpu.memory_space<vmem>> -> memref<512xf32, #tpu.memory_space<vmem>>
        %parallel_loop3A_258 = tpu.memref_slice %arg4[%parallel_loop3A_256] : memref<419430400xf32, #tpu.memory_space<hbm>> -> memref<512xf32, #tpu.memory_space<hbm>>
        %parallel_loop3A_259 = tpu.memref_slice %arg4[%parallel_loop3A_256] : memref<419430400xf32, #tpu.memory_space<hbm>> -> memref<512xf32, #tpu.memory_space<hbm>>
        %parallel_loop3A_260 = tpu.memref_slice %arg5[%parallel_loop3A_251] : memref<30720xf32, #tpu.memory_space<vmem>> -> memref<512xf32, #tpu.memory_space<vmem>>
        tpu.enqueue_dma source(%parallel_loop3A_260 : memref<512xf32, #tpu.memory_space<vmem>>) target(%parallel_loop3A_259 : memref<512xf32, #tpu.memory_space<hbm>>) target_semaphore(%arg13 : memref<!tpu.dma_semaphore, #tpu.memory_space<semaphore_mem>>)
        %parallel_loop3A_261 = vector.extract_strided_slice %parallel_loop3A_185 {offsets = [6], sizes = [1], strides = [1]} : vector<16xi32> to vector<1xi32>
        %parallel_loop3A_262 = vector.extract %parallel_loop3A_261[0] : i32 from vector<1xi32>
        %parallel_loop3A_263 = tpu.assume_multiple %parallel_loop3A_262, 512 : i32
        %parallel_loop3A_264 = arith.constant 6 : i32
        %parallel_loop3A_265 = arith.addi %parallel_loop3A_188, %parallel_loop3A_264 : i32
        %parallel_loop3A_266 = arith.constant 512 : i32
        %parallel_loop3A_267 = arith.muli %parallel_loop3A_265, %parallel_loop3A_266 : i32
        %parallel_loop3A_268 = tpu.assume_multiple %parallel_loop3A_267, 512 : i32
        %parallel_loop3A_269 = tpu.memref_slice %arg5[%parallel_loop3A_263] : memref<30720xf32, #tpu.memory_space<vmem>> -> memref<512xf32, #tpu.memory_space<vmem>>
        %parallel_loop3A_270 = tpu.memref_slice %arg4[%parallel_loop3A_268] : memref<419430400xf32, #tpu.memory_space<hbm>> -> memref<512xf32, #tpu.memory_space<hbm>>
        %parallel_loop3A_271 = tpu.memref_slice %arg4[%parallel_loop3A_268] : memref<419430400xf32, #tpu.memory_space<hbm>> -> memref<512xf32, #tpu.memory_space<hbm>>
        %parallel_loop3A_272 = tpu.memref_slice %arg5[%parallel_loop3A_263] : memref<30720xf32, #tpu.memory_space<vmem>> -> memref<512xf32, #tpu.memory_space<vmem>>
        tpu.enqueue_dma source(%parallel_loop3A_272 : memref<512xf32, #tpu.memory_space<vmem>>) target(%parallel_loop3A_271 : memref<512xf32, #tpu.memory_space<hbm>>) target_semaphore(%arg13 : memref<!tpu.dma_semaphore, #tpu.memory_space<semaphore_mem>>)
        %parallel_loop3A_273 = vector.extract_strided_slice %parallel_loop3A_185 {offsets = [7], sizes = [1], strides = [1]} : vector<16xi32> to vector<1xi32>
        %parallel_loop3A_274 = vector.extract %parallel_loop3A_273[0] : i32 from vector<1xi32>
        %parallel_loop3A_275 = tpu.assume_multiple %parallel_loop3A_274, 512 : i32
        %parallel_loop3A_276 = arith.constant 7 : i32
        %parallel_loop3A_277 = arith.addi %parallel_loop3A_188, %parallel_loop3A_276 : i32
        %parallel_loop3A_278 = arith.constant 512 : i32
        %parallel_loop3A_279 = arith.muli %parallel_loop3A_277, %parallel_loop3A_278 : i32
        %parallel_loop3A_280 = tpu.assume_multiple %parallel_loop3A_279, 512 : i32
        %parallel_loop3A_281 = tpu.memref_slice %arg5[%parallel_loop3A_275] : memref<30720xf32, #tpu.memory_space<vmem>> -> memref<512xf32, #tpu.memory_space<vmem>>
        %parallel_loop3A_282 = tpu.memref_slice %arg4[%parallel_loop3A_280] : memref<419430400xf32, #tpu.memory_space<hbm>> -> memref<512xf32, #tpu.memory_space<hbm>>
        %parallel_loop3A_283 = tpu.memref_slice %arg4[%parallel_loop3A_280] : memref<419430400xf32, #tpu.memory_space<hbm>> -> memref<512xf32, #tpu.memory_space<hbm>>
        %parallel_loop3A_284 = tpu.memref_slice %arg5[%parallel_loop3A_275] : memref<30720xf32, #tpu.memory_space<vmem>> -> memref<512xf32, #tpu.memory_space<vmem>>
        tpu.enqueue_dma source(%parallel_loop3A_284 : memref<512xf32, #tpu.memory_space<vmem>>) target(%parallel_loop3A_283 : memref<512xf32, #tpu.memory_space<hbm>>) target_semaphore(%arg13 : memref<!tpu.dma_semaphore, #tpu.memory_space<semaphore_mem>>)
        %parallel_loop3A_285 = vector.extract_strided_slice %parallel_loop3A_185 {offsets = [8], sizes = [1], strides = [1]} : vector<16xi32> to vector<1xi32>
        %parallel_loop3A_286 = vector.extract %parallel_loop3A_285[0] : i32 from vector<1xi32>
        %parallel_loop3A_287 = tpu.assume_multiple %parallel_loop3A_286, 512 : i32
        %parallel_loop3A_288 = arith.constant 8 : i32
        %parallel_loop3A_289 = arith.addi %parallel_loop3A_188, %parallel_loop3A_288 : i32
        %parallel_loop3A_290 = arith.constant 512 : i32
        %parallel_loop3A_291 = arith.muli %parallel_loop3A_289, %parallel_loop3A_290 : i32
        %parallel_loop3A_292 = tpu.assume_multiple %parallel_loop3A_291, 512 : i32
        %parallel_loop3A_293 = tpu.memref_slice %arg5[%parallel_loop3A_287] : memref<30720xf32, #tpu.memory_space<vmem>> -> memref<512xf32, #tpu.memory_space<vmem>>
        %parallel_loop3A_294 = tpu.memref_slice %arg4[%parallel_loop3A_292] : memref<419430400xf32, #tpu.memory_space<hbm>> -> memref<512xf32, #tpu.memory_space<hbm>>
        %parallel_loop3A_295 = tpu.memref_slice %arg4[%parallel_loop3A_292] : memref<419430400xf32, #tpu.memory_space<hbm>> -> memref<512xf32, #tpu.memory_space<hbm>>
        %parallel_loop3A_296 = tpu.memref_slice %arg5[%parallel_loop3A_287] : memref<30720xf32, #tpu.memory_space<vmem>> -> memref<512xf32, #tpu.memory_space<vmem>>
        tpu.enqueue_dma source(%parallel_loop3A_296 : memref<512xf32, #tpu.memory_space<vmem>>) target(%parallel_loop3A_295 : memref<512xf32, #tpu.memory_space<hbm>>) target_semaphore(%arg13 : memref<!tpu.dma_semaphore, #tpu.memory_space<semaphore_mem>>)
        %parallel_loop3A_297 = vector.extract_strided_slice %parallel_loop3A_185 {offsets = [9], sizes = [1], strides = [1]} : vector<16xi32> to vector<1xi32>
        %parallel_loop3A_298 = vector.extract %parallel_loop3A_297[0] : i32 from vector<1xi32>
        %parallel_loop3A_299 = tpu.assume_multiple %parallel_loop3A_298, 512 : i32
        %parallel_loop3A_300 = arith.constant 9 : i32
        %parallel_loop3A_301 = arith.addi %parallel_loop3A_188, %parallel_loop3A_300 : i32
        %parallel_loop3A_302 = arith.constant 512 : i32
        %parallel_loop3A_303 = arith.muli %parallel_loop3A_301, %parallel_loop3A_302 : i32
        %parallel_loop3A_304 = tpu.assume_multiple %parallel_loop3A_303, 512 : i32
        %parallel_loop3A_305 = tpu.memref_slice %arg5[%parallel_loop3A_299] : memref<30720xf32, #tpu.memory_space<vmem>> -> memref<512xf32, #tpu.memory_space<vmem>>
        %parallel_loop3A_306 = tpu.memref_slice %arg4[%parallel_loop3A_304] : memref<419430400xf32, #tpu.memory_space<hbm>> -> memref<512xf32, #tpu.memory_space<hbm>>
        %parallel_loop3A_307 = tpu.memref_slice %arg4[%parallel_loop3A_304] : memref<419430400xf32, #tpu.memory_space<hbm>> -> memref<512xf32, #tpu.memory_space<hbm>>
        %parallel_loop3A_308 = tpu.memref_slice %arg5[%parallel_loop3A_299] : memref<30720xf32, #tpu.memory_space<vmem>> -> memref<512xf32, #tpu.memory_space<vmem>>
        tpu.enqueue_dma source(%parallel_loop3A_308 : memref<512xf32, #tpu.memory_space<vmem>>) target(%parallel_loop3A_307 : memref<512xf32, #tpu.memory_space<hbm>>) target_semaphore(%arg13 : memref<!tpu.dma_semaphore, #tpu.memory_space<semaphore_mem>>)
        %parallel_loop3A_309 = vector.extract_strided_slice %parallel_loop3A_185 {offsets = [10], sizes = [1], strides = [1]} : vector<16xi32> to vector<1xi32>
        %parallel_loop3A_310 = vector.extract %parallel_loop3A_309[0] : i32 from vector<1xi32>
        %parallel_loop3A_311 = tpu.assume_multiple %parallel_loop3A_310, 512 : i32
        %parallel_loop3A_312 = arith.constant 10 : i32
        %parallel_loop3A_313 = arith.addi %parallel_loop3A_188, %parallel_loop3A_312 : i32
        %parallel_loop3A_314 = arith.constant 512 : i32
        %parallel_loop3A_315 = arith.muli %parallel_loop3A_313, %parallel_loop3A_314 : i32
        %parallel_loop3A_316 = tpu.assume_multiple %parallel_loop3A_315, 512 : i32
        %parallel_loop3A_317 = tpu.memref_slice %arg5[%parallel_loop3A_311] : memref<30720xf32, #tpu.memory_space<vmem>> -> memref<512xf32, #tpu.memory_space<vmem>>
        %parallel_loop3A_318 = tpu.memref_slice %arg4[%parallel_loop3A_316] : memref<419430400xf32, #tpu.memory_space<hbm>> -> memref<512xf32, #tpu.memory_space<hbm>>
        %parallel_loop3A_319 = tpu.memref_slice %arg4[%parallel_loop3A_316] : memref<419430400xf32, #tpu.memory_space<hbm>> -> memref<512xf32, #tpu.memory_space<hbm>>
        %parallel_loop3A_320 = tpu.memref_slice %arg5[%parallel_loop3A_311] : memref<30720xf32, #tpu.memory_space<vmem>> -> memref<512xf32, #tpu.memory_space<vmem>>
        tpu.enqueue_dma source(%parallel_loop3A_320 : memref<512xf32, #tpu.memory_space<vmem>>) target(%parallel_loop3A_319 : memref<512xf32, #tpu.memory_space<hbm>>) target_semaphore(%arg13 : memref<!tpu.dma_semaphore, #tpu.memory_space<semaphore_mem>>)
        %parallel_loop3A_321 = vector.extract_strided_slice %parallel_loop3A_185 {offsets = [11], sizes = [1], strides = [1]} : vector<16xi32> to vector<1xi32>
        %parallel_loop3A_322 = vector.extract %parallel_loop3A_321[0] : i32 from vector<1xi32>
        %parallel_loop3A_323 = tpu.assume_multiple %parallel_loop3A_322, 512 : i32
        %parallel_loop3A_324 = arith.constant 11 : i32
        %parallel_loop3A_325 = arith.addi %parallel_loop3A_188, %parallel_loop3A_324 : i32
        %parallel_loop3A_326 = arith.constant 512 : i32
        %parallel_loop3A_327 = arith.muli %parallel_loop3A_325, %parallel_loop3A_326 : i32
        %parallel_loop3A_328 = tpu.assume_multiple %parallel_loop3A_327, 512 : i32
        %parallel_loop3A_329 = tpu.memref_slice %arg5[%parallel_loop3A_323] : memref<30720xf32, #tpu.memory_space<vmem>> -> memref<512xf32, #tpu.memory_space<vmem>>
        %parallel_loop3A_330 = tpu.memref_slice %arg4[%parallel_loop3A_328] : memref<419430400xf32, #tpu.memory_space<hbm>> -> memref<512xf32, #tpu.memory_space<hbm>>
        %parallel_loop3A_331 = tpu.memref_slice %arg4[%parallel_loop3A_328] : memref<419430400xf32, #tpu.memory_space<hbm>> -> memref<512xf32, #tpu.memory_space<hbm>>
        %parallel_loop3A_332 = tpu.memref_slice %arg5[%parallel_loop3A_323] : memref<30720xf32, #tpu.memory_space<vmem>> -> memref<512xf32, #tpu.memory_space<vmem>>
        tpu.enqueue_dma source(%parallel_loop3A_332 : memref<512xf32, #tpu.memory_space<vmem>>) target(%parallel_loop3A_331 : memref<512xf32, #tpu.memory_space<hbm>>) target_semaphore(%arg13 : memref<!tpu.dma_semaphore, #tpu.memory_space<semaphore_mem>>)
        %parallel_loop3A_333 = vector.extract_strided_slice %parallel_loop3A_185 {offsets = [12], sizes = [1], strides = [1]} : vector<16xi32> to vector<1xi32>
        %parallel_loop3A_334 = vector.extract %parallel_loop3A_333[0] : i32 from vector<1xi32>
        %parallel_loop3A_335 = tpu.assume_multiple %parallel_loop3A_334, 512 : i32
        %parallel_loop3A_336 = arith.constant 12 : i32
        %parallel_loop3A_337 = arith.addi %parallel_loop3A_188, %parallel_loop3A_336 : i32
        %parallel_loop3A_338 = arith.constant 512 : i32
        %parallel_loop3A_339 = arith.muli %parallel_loop3A_337, %parallel_loop3A_338 : i32
        %parallel_loop3A_340 = tpu.assume_multiple %parallel_loop3A_339, 512 : i32
        %parallel_loop3A_341 = tpu.memref_slice %arg5[%parallel_loop3A_335] : memref<30720xf32, #tpu.memory_space<vmem>> -> memref<512xf32, #tpu.memory_space<vmem>>
        %parallel_loop3A_342 = tpu.memref_slice %arg4[%parallel_loop3A_340] : memref<419430400xf32, #tpu.memory_space<hbm>> -> memref<512xf32, #tpu.memory_space<hbm>>
        %parallel_loop3A_343 = tpu.memref_slice %arg4[%parallel_loop3A_340] : memref<419430400xf32, #tpu.memory_space<hbm>> -> memref<512xf32, #tpu.memory_space<hbm>>
        %parallel_loop3A_344 = tpu.memref_slice %arg5[%parallel_loop3A_335] : memref<30720xf32, #tpu.memory_space<vmem>> -> memref<512xf32, #tpu.memory_space<vmem>>
        tpu.enqueue_dma source(%parallel_loop3A_344 : memref<512xf32, #tpu.memory_space<vmem>>) target(%parallel_loop3A_343 : memref<512xf32, #tpu.memory_space<hbm>>) target_semaphore(%arg13 : memref<!tpu.dma_semaphore, #tpu.memory_space<semaphore_mem>>)
        %parallel_loop3A_345 = vector.extract_strided_slice %parallel_loop3A_185 {offsets = [13], sizes = [1], strides = [1]} : vector<16xi32> to vector<1xi32>
        %parallel_loop3A_346 = vector.extract %parallel_loop3A_345[0] : i32 from vector<1xi32>
        %parallel_loop3A_347 = tpu.assume_multiple %parallel_loop3A_346, 512 : i32
        %parallel_loop3A_348 = arith.constant 13 : i32
        %parallel_loop3A_349 = arith.addi %parallel_loop3A_188, %parallel_loop3A_348 : i32
        %parallel_loop3A_350 = arith.constant 512 : i32
        %parallel_loop3A_351 = arith.muli %parallel_loop3A_349, %parallel_loop3A_350 : i32
        %parallel_loop3A_352 = tpu.assume_multiple %parallel_loop3A_351, 512 : i32
        %parallel_loop3A_353 = tpu.memref_slice %arg5[%parallel_loop3A_347] : memref<30720xf32, #tpu.memory_space<vmem>> -> memref<512xf32, #tpu.memory_space<vmem>>
        %parallel_loop3A_354 = tpu.memref_slice %arg4[%parallel_loop3A_352] : memref<419430400xf32, #tpu.memory_space<hbm>> -> memref<512xf32, #tpu.memory_space<hbm>>
        %parallel_loop3A_355 = tpu.memref_slice %arg4[%parallel_loop3A_352] : memref<419430400xf32, #tpu.memory_space<hbm>> -> memref<512xf32, #tpu.memory_space<hbm>>
        %parallel_loop3A_356 = tpu.memref_slice %arg5[%parallel_loop3A_347] : memref<30720xf32, #tpu.memory_space<vmem>> -> memref<512xf32, #tpu.memory_space<vmem>>
        tpu.enqueue_dma source(%parallel_loop3A_356 : memref<512xf32, #tpu.memory_space<vmem>>) target(%parallel_loop3A_355 : memref<512xf32, #tpu.memory_space<hbm>>) target_semaphore(%arg13 : memref<!tpu.dma_semaphore, #tpu.memory_space<semaphore_mem>>)
        %parallel_loop3A_357 = vector.extract_strided_slice %parallel_loop3A_185 {offsets = [14], sizes = [1], strides = [1]} : vector<16xi32> to vector<1xi32>
        %parallel_loop3A_358 = vector.extract %parallel_loop3A_357[0] : i32 from vector<1xi32>
        %parallel_loop3A_359 = tpu.assume_multiple %parallel_loop3A_358, 512 : i32
        %parallel_loop3A_360 = arith.constant 14 : i32
        %parallel_loop3A_361 = arith.addi %parallel_loop3A_188, %parallel_loop3A_360 : i32
        %parallel_loop3A_362 = arith.constant 512 : i32
        %parallel_loop3A_363 = arith.muli %parallel_loop3A_361, %parallel_loop3A_362 : i32
        %parallel_loop3A_364 = tpu.assume_multiple %parallel_loop3A_363, 512 : i32
        %parallel_loop3A_365 = tpu.memref_slice %arg5[%parallel_loop3A_359] : memref<30720xf32, #tpu.memory_space<vmem>> -> memref<512xf32, #tpu.memory_space<vmem>>
        %parallel_loop3A_366 = tpu.memref_slice %arg4[%parallel_loop3A_364] : memref<419430400xf32, #tpu.memory_space<hbm>> -> memref<512xf32, #tpu.memory_space<hbm>>
        %parallel_loop3A_367 = tpu.memref_slice %arg4[%parallel_loop3A_364] : memref<419430400xf32, #tpu.memory_space<hbm>> -> memref<512xf32, #tpu.memory_space<hbm>>
        %parallel_loop3A_368 = tpu.memref_slice %arg5[%parallel_loop3A_359] : memref<30720xf32, #tpu.memory_space<vmem>> -> memref<512xf32, #tpu.memory_space<vmem>>
        tpu.enqueue_dma source(%parallel_loop3A_368 : memref<512xf32, #tpu.memory_space<vmem>>) target(%parallel_loop3A_367 : memref<512xf32, #tpu.memory_space<hbm>>) target_semaphore(%arg13 : memref<!tpu.dma_semaphore, #tpu.memory_space<semaphore_mem>>)
        %parallel_loop3A_369 = vector.extract_strided_slice %parallel_loop3A_185 {offsets = [15], sizes = [1], strides = [1]} : vector<16xi32> to vector<1xi32>
        %parallel_loop3A_370 = vector.extract %parallel_loop3A_369[0] : i32 from vector<1xi32>
        %parallel_loop3A_371 = tpu.assume_multiple %parallel_loop3A_370, 512 : i32
        %parallel_loop3A_372 = arith.constant 15 : i32
        %parallel_loop3A_373 = arith.addi %parallel_loop3A_188, %parallel_loop3A_372 : i32
        %parallel_loop3A_374 = arith.constant 512 : i32
        %parallel_loop3A_375 = arith.muli %parallel_loop3A_373, %parallel_loop3A_374 : i32
        %parallel_loop3A_376 = tpu.assume_multiple %parallel_loop3A_375, 512 : i32
        %parallel_loop3A_377 = tpu.memref_slice %arg5[%parallel_loop3A_371] : memref<30720xf32, #tpu.memory_space<vmem>> -> memref<512xf32, #tpu.memory_space<vmem>>
        %parallel_loop3A_378 = tpu.memref_slice %arg4[%parallel_loop3A_376] : memref<419430400xf32, #tpu.memory_space<hbm>> -> memref<512xf32, #tpu.memory_space<hbm>>
        %parallel_loop3A_379 = tpu.memref_slice %arg4[%parallel_loop3A_376] : memref<419430400xf32, #tpu.memory_space<hbm>> -> memref<512xf32, #tpu.memory_space<hbm>>
        %parallel_loop3A_380 = tpu.memref_slice %arg5[%parallel_loop3A_371] : memref<30720xf32, #tpu.memory_space<vmem>> -> memref<512xf32, #tpu.memory_space<vmem>>
        tpu.enqueue_dma source(%parallel_loop3A_380 : memref<512xf32, #tpu.memory_space<vmem>>) target(%parallel_loop3A_379 : memref<512xf32, #tpu.memory_space<hbm>>) target_semaphore(%arg13 : memref<!tpu.dma_semaphore, #tpu.memory_space<semaphore_mem>>)
      } {sc.loop_unroll_factor = 1 : i64, sc.parallel_access}
    }
    %scan3A_18 = arith.constant 160 : i32
    %scan3A_19 = arith.constant 0 : i32
    %scan3A_20 = arith.constant 0 : i32
    %scan3A_21 = arith.constant 200 : i32
    %scan3A_22 = arith.addi %scan3A_20, %scan3A_21 : i32
    %scan3A_23 = arith.constant 1 : i32
    scf.for %scan3A_25 = %scan3A_20 to %scan3A_22 step %scan3A_23  : i32 {
      %dma_wait3A = arith.constant 0 : i32
      %dma_wait3A_26 = tpu.memref_slice %arg4[%dma_wait3A] : memref<419430400xf32, #tpu.memory_space<hbm>> -> memref<65536xf32, #tpu.memory_space<hbm>>
      %dma_wait3A_27 = arith.constant 0 : i32
      %dma_wait3A_28 = tpu.memref_slice %arg4[%dma_wait3A_27] : memref<419430400xf32, #tpu.memory_space<hbm>> -> memref<65536xf32, #tpu.memory_space<hbm>>
      tpu.wait_dma2 semaphore(%arg13 : memref<!tpu.dma_semaphore, #tpu.memory_space<semaphore_mem>>) src(%dma_wait3A_28 : memref<65536xf32, #tpu.memory_space<hbm>>) dst(%arg6 : memref<65536xf32, #tpu.memory_space<vmem>>)
    }
    %scan3A_24 = arith.constant 200 : i32
    return
  }
}

</mosaic_0001>

<sc_bundles>
// kernel: kernel.3.cloned.1.call-start
scs
__scs_entry_jumppad:
0x0: {  	(pc) =	sbr.rel $0x88, $3  }
0x1: {  	(tag) =	ssettag $0x0;
	lr =	simm.s32 $0x1  }
0x2: {  	[smem:$0x3F9F] =	sst lr;
	_ =	strace $0xD0000000  }
0x3: {  	_ = 	snop  }
0x4: {  	_ = 	snop  }
0x5: {  	_ = 	snop  }
0x6: {  	_ = 	snop  }
0x7: {  	_ = 	snop  }
__scs_overlays_trampoline_lowered:
0x8: {  	[smem:$0x3FAE] =	sst s0  }
0x9: {  	[smem:$0x3FAF] =	sst s1  }
0xa: {  	[smem:$0x3FB0] =	sst s2  }
0xb: {  	[smem:$0x3FB1] =	sst s3  }
0xc: {  	[smem:$0x3FB2] =	sst s4  }
0xd: {  	[smem:$0x3FB3] =	sst s5  }
0xe: {  	[smem:$0x3FB4] =	sst s6  }
0xf: {  	[smem:$0x3FB5] =	sst s7  }
0x10: {  	[smem:$0x3FB6] =	sst s8  }
0x11: {  	[smem:$0x3FB7] =	sst s9;
	s0 =	simm.s32 @!p0 $0x0  }
0x12: {  	s1 =	sld [smem:$0x3F9D];
	s0 =	simm.s32 @p0 $0x1  }
0x13: {  	[smem:$0x3FB8] =	sst s0;
	s0 =	simm.s32 @!p1 $0x0  }
0x14: {  	s2 =	sld [smem:$0x3F9C];
	s0 =	simm.s32 @p1 $0x1  }
0x15: {  	[smem:$0x3FB9] =	sst s0;
	s0 =	simm.s32 @!p2 $0x0  }
0x16: {  	s3 =	sld [smem:$0x3FDB];
	s0 =	simm.s32 @p2 $0x1  }
0x17: {  	s4 =	simm.s32 $0x1BF5;
	[smem:$0x3FBB] =	sst s0  }
0x18: {  	s0 =	sld [smem:$0x3F9E];
	_ =	swait.ge [sflag:s4], $0x0  }
0x19: {  	s7 =	sld [smem:$0x3F9F]  }
0x1a: {  	s8 =	sadd.s32 $0xFFFFE003, lr  }
0x1b: {  	s9 =	sadd.s32 $0xFFFFFEF7, lr;
	s5 =	simm.s32 $0xFFFFFFFF;
	p2 =	slt.u32 s8, $0xFFFFF086  }
0x1c: {  	p1 =	slt.u32 s9, $0xF7A;
	s5 =	simm.s32 @!p2 $0x0  }
0x1d: {  	s5 =	simm.s32 @p1 $0x1;
	p0 =	seq.s32 s7, s2  }
0x1e: {  	s7 =	smul.u32 @!p0 $0xF7A, s2;
	p2 =	seq.s32 @!p0 s5, $0x0  }
0x1f: {  	s9 =	smul.u32 $0xF7A, s1;
	s8 =	simm.s32 @!p0 $0x1BF5;
	p2 =	por !p2, p0  }
0x20: {  	[sflag:s8] =	ssyncset.s32 @!p0 $0xFFFFF086;
	s6 =	sadd.s32 @!p0 s3, s7;
	s7 =	simm.s32 @!p0 $0x108  }
0x21: {  	s3 =	sadd.s32 s3, s9;
	s6 =	sadd.s32 @!p0 $0x88, s6;
	s7 =	simm.s32 @p2 $0x1082  }
0x22: {  	[simem:s7], [sflag:s8] =	dma.local @!p0 [hbm:s6], $0xF7A  }
0x23: {  	s9 =	sor.u32 $0xD0000000, s2;
	s6 =	simm.s32 $0x108;
	_ =	swait.ge @!p0 [sflag:s8], $0x0  }
0x24: {  	s3 =	sadd.s32 $0x88, s3;
	s6 =	simm.s32 @!p1 $0x1082;
	[sflag:s4] =	ssyncset.s32 $0xFFFFF086  }
0x25: {  	[simem:s6], [sflag:s4] =	dma.local [hbm:s3], $0xF7A  }
0x26: {  	[smem:$0x3F9F] =	sst s1;
	(tag) =	ssettag s2;
	_ =	strace s9  }
0x27: {  	s1 =	sld [smem:$0x3FAF]  }
0x28: {  	s2 =	sld [smem:$0x3FB0]  }
0x29: {  	s4 =	sld [smem:$0x3FB2]  }
0x2a: {  	p0 =	seq.s32 s5, $0x0;
	s5 =	sld [smem:$0x3FB3]  }
0x2b: {  	s6 =	sld [smem:$0x3FB4]  }
0x2c: {  	s7 =	sld [smem:$0x3FB5]  }
0x2d: {  	s3 =	simm.s32 $0x108;
	s8 =	sld [smem:$0x3FB6]  }
0x2e: {  	s3 =	simm.s32 @!p0 $0x1082;
	s9 =	sld [smem:$0x3FB7]  }
0x2f: {  	lr =	sadd.s32 s0, s3;
	s0 =	sld [smem:$0x3FAE]  }
0x30: {  	s3 =	sld [smem:$0x3FB1]  }
0x31: {  	[smem:$0x3FBA] =	sst s10  }
0x32: {  	s10 =	sld [smem:$0x3FB8];
	_ =	sdelay $0x3  }
0x33: {  	p0 =	seq.s32 s10, $0x1;
	s10 =	sld [smem:$0x3FBA];
	_ =	sdelay $0x3  }
0x34: {  	[smem:$0x3FBA] =	sst s10  }
0x35: {  	s10 =	sld [smem:$0x3FB9];
	_ =	sdelay $0x3  }
0x36: {  	p1 =	seq.s32 s10, $0x1;
	s10 =	sld [smem:$0x3FBA];
	_ =	sdelay $0x3  }
0x37: {  	[smem:$0x3FBA] =	sst s10  }
0x38: {  	s10 =	sld [smem:$0x3FBB]  }
0x39: {  	_ = 	snop;
	(pc) =	sbr.ind lr, $3  }
0x3a: {  	_ = 	snop  }
0x3b: {  	_ = 	snop  }
0x3c: {  	p2 =	seq.s32 s10, $0x1;
	s10 =	sld [smem:$0x3FBA]  }
0x3d: {  	_ =	shalt  }
0x3e: {  	_ =	shalt  }
0x3f: {  	_ =	shalt  }
0x40: {  	_ =	shalt  }
0x41: {  	_ =	shalt  }
0x42: {  	_ =	shalt  }
0x43: {  	_ =	shalt  }
0x44: {  	_ =	shalt  }
0x45: {  	_ =	shalt  }
0x46: {  	_ =	shalt  }
0x47: {  	_ =	shalt  }
0x48: {  	_ =	shalt  }
0x49: {  	_ =	shalt  }
0x4a: {  	_ =	shalt  }
0x4b: {  	_ =	shalt  }
0x4c: {  	_ =	shalt  }
0x4d: {  	_ =	shalt  }
0x4e: {  	_ =	shalt  }
0x4f: {  	_ =	shalt  }
0x50: {  	_ =	shalt  }
0x51: {  	_ =	shalt  }
0x52: {  	_ =	shalt  }
0x53: {  	_ =	shalt  }
0x54: {  	_ =	shalt  }
0x55: {  	_ =	shalt  }
0x56: {  	_ =	shalt  }
0x57: {  	_ =	shalt  }
0x58: {  	_ =	shalt  }
0x59: {  	_ =	shalt  }
0x5a: {  	_ =	shalt  }
0x5b: {  	_ =	shalt  }
0x5c: {  	_ =	shalt  }
0x5d: {  	_ =	shalt  }
0x5e: {  	_ =	shalt  }
0x5f: {  	_ =	shalt  }
0x60: {  	_ =	shalt  }
0x61: {  	_ =	shalt  }
0x62: {  	_ =	shalt  }
0x63: {  	_ =	shalt  }
0x64: {  	_ =	shalt  }
0x65: {  	_ =	shalt  }
0x66: {  	_ =	shalt  }
0x67: {  	_ =	shalt  }
0x68: {  	_ =	shalt  }
0x69: {  	_ =	shalt  }
0x6a: {  	_ =	shalt  }
0x6b: {  	_ =	shalt  }
0x6c: {  	_ =	shalt  }
0x6d: {  	_ =	shalt  }
0x6e: {  	_ =	shalt  }
0x6f: {  	_ =	shalt  }
0x70: {  	_ =	shalt  }
0x71: {  	_ =	shalt  }
0x72: {  	_ =	shalt  }
0x73: {  	_ =	shalt  }
0x74: {  	_ =	shalt  }
0x75: {  	_ =	shalt  }
0x76: {  	_ =	shalt  }
0x77: {  	_ =	shalt  }
0x78: {  	_ =	shalt  }
0x79: {  	_ =	shalt  }
0x7a: {  	_ =	shalt  }
0x7b: {  	_ =	shalt  }
0x7c: {  	_ =	shalt  }
0x7d: {  	_ =	shalt  }
0x7e: {  	_ =	shalt  }
0x7f: {  	_ =	shalt  }
0x80: {  	_ =	shalt  }
0x81: {  	_ =	shalt  }
0x82: {  	_ =	shalt  }
0x83: {  	_ =	shalt  }
0x84: {  	_ =	shalt  }
0x85: {  	_ =	shalt  }
0x86: {  	_ =	shalt  }
0x87: {  	_ =	shalt  }
.Lfunc_end0:
.L_simem_size_0:
called_computation_lowered:
.L_overlay_start_0:
0x88: {  	s2 =	sld [smem:$0x3FD9]  }
0x89: {  	s3 =	sld [smem:$0x3FFE];
	_ =	sdelay $0x1  }
0x8a: {  	s1 =	srdreg.scid  }
0x8b: {  	s0 =	sand.u32 $0x1, s1  }
0x8c: {  	s16 =	sshll.u32 s0, $0xA;
	s2 =	sadd.s32 s3, s2  }
0x8d: {  	s2 =	sadd.s32 s2, s16  }
0x8e: {  	[smem:$0x3FC6] =	sst s2  }
0x8f: {  	_ = 	snop  }
0x90: {  	(tm) =	ssettm $0x1  }
0x91: {  	s17 =	sld [smem:$0x3FFB];
	_ =	sdelay $0x3  }
0x92: {  	_ =	strace s17  }
0x93: {  	s2 =	sld [smem:$0x3FFC];
	_ =	sdelay $0x3  }
0x94: {  	_ =	strace s2  }
0x95: {  	s2 =	sld [smem:$0x3FFD];
	_ =	sdelay $0x3  }
0x96: {  	_ =	strace s2  }
0x97: {  	_ =	strace $0x8FFFFFFF  }
0x98: {  	s18 =	sld [smem:$0x3FDB];
	_ =	sdelay $0x1  }
0x99: {  	s19 =	simm.s32 $_scs_section_size  }
0x9a: {  	s4 =	simm.s32 $_size__tile_overlayer_lowered;
	s5 =	simm.s32 $_tile_overlayer_lowered  }
0x9b: {  	s22 =	simm.s32 $0x1BFF;
	s21 =	sshll.u32 s5, $0x1;
	s2 =	sadd.s32 s19, s18  }
0x9c: {  	s6 =	simm.s32 $0x0;
	s20 =	sshll.u32 s4, $0x1;
	s4 =	sadd.s32 s21, s2  }
0x9d: {  	[timem:s6], [sflag:s22] =	dma.local [hbm:s4], s20  }
0x9e: {  	_ =	swait.ge [sflag:s22], s20  }
0x9f: {  	s3 =	ssub.s32 $0x0, s20;
	[sflag:s22] =	ssyncset.done $0x0  }
0xa0: {  	[sflag:s22] =	ssyncadd.s32 s3;
	_ =	sdelay $0x1  }
0xa1: {  	s23 =	simm.s32 $0x1B8B  }
0xa2: {  	_ =	swait.ge [sflag:s23], $0x1  }
0xa3: {  	[sflag:s23] =	ssyncset.done $0x0  }
0xa4: {  	s25 =	simm.s32 $0x1B8E;
	s24 =	sld [smem:$0x3FFE];
	[sflag:s23] =	ssyncadd.s32 $0xFFFFFFFF  }
0xa5: {  	s26 =	simm.s32 $execute0_lowered;
	[smem:$0x3FD2] =	sst s25  }
0xa6: {  	s4 =	sshll.u32 s26, $0x1;
	_ =	strace $0x80000046;
	[dreg:$0x1] =	wrdreg $0xFFFFFFFF  }
0xa7: {  	s28 =	simm.s32 $_size_execute0_lowered;
	s2 =	sadd.s32 s2, s4;
	[dreg:$0x0] =	wrdreg $0x0  }
0xa8: {  	s4 =	sshll.u32 s28, $0x1;
	[dreg:$0x2] =	wrdreg s2  }
0xa9: {  	[dreg:$0x3] =	wrdreg s4  }
0xaa: {  	[dreg:$0x4] =	wrdreg $0xC0  }
0xab: {  	_ =	task [dreg:s6], $0x5FFFF  }
0xac: {  	[dreg:$0x1] =	wrdreg $0xFFFFFFFF  }
0xad: {  	[dreg:$0x0] =	wrdreg $0x60  }
0xae: {  	[dreg:$0x2] =	wrdreg s24  }
0xaf: {  	[dreg:$0x3] =	wrdreg $0x9  }
0xb0: {  	_ =	task.clear_ibuf [dreg:s6], $0x4FFFF;
	_ =	strace $0x90000046  }
0xb1: {  	s29 =	simm.s32 $0x9;
	_ =	strace $0x80000048  }
0xb2: {  	_ =	swait.ge [sflag:s29], $0x1  }
0xb3: {  	[sflag:s29] =	ssyncadd.s32 $0xFFFFFFFF  }
0xb4: {  	_ =	strace $0x90000048  }
0xb5: {  	_ =	sfence  }
0xb6: {  	s30 =	sld [smem:$0x0];
	_ =	sdelay $0x2  }
0xb7: {  	s31 =	sshll.u32 s1, $0xD;
	s1 =	sshrl.u32 s1, $0x2  }
0xb8: {  	s3 =	sand.u32 $0x4000, s31;
	s1 =	sadd.s32 s1, s30  }
0xb9: {  	s0 =	sor.u32 s3, s0;
	s1 =	sshll.u32 s1, $0x11  }
0xba: {  	s0 =	sor.u32 s1, s0  }
0xbb: {  	s0 =	sadd.s32 $0x8F2B, s0  }
0xbc: {  	[sflag:s0] =	ssyncadd.remote.s32 $0x1  }
0xbd: {  	_ =	sfence.sel $0xFFFF  }
0xbe: {  	[dreg:$0x0] =	wrdreg $0xFFFFFFFF;
	(pc) =	sbr.abs _section_cstart, $3  }
0xbf: {  	[dreg:$0x1] =	wrdreg $0xFFFFFFFF  }
0xc0: {  	_ =	task.clear_ibuf [dreg:s6], $0x2FFFF;
	_ =	strace $0x9FFFFFFF  }
0xc1: {  	(tm) =	ssettm $0x7FFFFFFF  }
tec
execute0_lowered:
.L_overlay_start_1:
0x0: {  	(tag) =	ssettag $0x1  }
0x1: {  	s1 =	srdreg.scid  }
0x2: {  	s0 =	stileid.u32;
	s6 =	rddreg [dreg:$0x0];
	s2 =	simm.s32 $0x0  }
0x3: {  	s15 =	simm.s32 $0x1;
	s16 =	simm.s32 $0x2;
	s17 =	simm.s32 $0x3  }
0x4: {  	s18 =	simm.s32 $0x0;
	s9 =	sand.u32 $0x1, s1;
	s10 =	smul.u32 $0xC800, s0  }
0x5: {  	s3 =	sshll.u32 s0, $0x1;
	s1 =	rddreg [dreg:$0x1];
	s14 =	smul.u32 $0x320000, s0  }
0x6: {  	[smem:$0x7FF] =	sst s2;
	s13 =	sadd.s32 $0x65400, s6;
	s12 =	smul.u32 $0x6400, s9  }
0x7: {  	s4 =	sor.u32 s9, s3;
	_ =	strace $0x80000047;
	s30 =	smul.u32 $0x190000, s9  }
0x8: {  	s3 =	sadd.s32 $0x1400, s6;
	s7 =	ssub.s32 $0x2, s9;
	s8 =	smul.u32 $0x6400, s4  }
0x9: {  	s5 =	smul.u32 $0x3200, s4;
	s4 =	sadd.s32 $0x400, s6;
	s11 =	sshrl.u32 s7, $0x1  }
0xa: {  	v0 =	vlaneseq.u32;
	s31 =	sadd.s32 s14, s13;
	s14 =	simm.s32 $0x7980;
	s11 =	ssub.s32 s7, s11  }
0xb: {  	v4 =	vmul.u32 $0x4, v0;
	s10 =	sadd.s32 s12, s10;
	s12 =	simm.s32 $0x4;
	s5 =	sadd.s32 s3, s5  }
0xc: {  	s7 =	sor.u32 $0xA0, s8;
	s8 =	sor.u32 $0xF0, s8;
	s10 =	sshll.u32 s10, $0x6  }
0xd: {  	v0 =	vor.u32 $0x1, v4;
	v1 =	vor.u32 $0x41, v4;
	s9 =	smax.u32 s11, $0x1;
	s6 =	sadd.s32 $0x28, s5;
	s13 =	sadd.s32 s10, s13  }
0xe: {  	v2 =	vor.u32 $0x81, v4;
	v3 =	vor.u32 $0xC1, v4;
	v4 =	vor.u32 $0x101, v4;
	s10 =	sadd.s32 s30, s31;
	s11 =	sadd.s32 $0x1400, s13;
	s13 =	simm.s32 $0x7800  }
.LBB2_1:
0xf: {  	[tilespmem:s2], [sflag:$0x4] =	stream.linear.gather [hbm4b:s4+s2], $0x7800, $0x38;
	[tilespmem:$0x7C00] =	vst v63  }
0x10: {  	_ =	swait.ge [sflag:s12], $0x7800  }
0x11: {  	[sflag:s12] =	ssyncset.done $0x0  }
0x12: {  	[sflag:s12] =	ssyncadd.s32 $0xFFFF8800  }
0x13: {  	[tilespmem:s13], [sflag:$0x1] =	stream.linear.gather [hbm4b:s5+s2], $0x140, $0x38;
	[tilespmem:$0x7C00] =	vst v63  }
0x14: {  	s19 =	smov.u32 s11;
	s20 =	smov.u32 s10;
	s21 =	simm.s32 $0x0  }
0x15: {  	[tilespmem:s14], [sflag:$0x2] =	stream.linear.gather [hbm4b:s6+s2], $0x140, $0x38;
	[tilespmem:$0x7C00] =	vst v63  }
.LBB2_2:
0x16: {  	_ = 	snop  }
0x17: {  	_ =	swait.ge [sflag:s15], $0x140  }
0x18: {  	[sflag:s15] =	ssyncset.done $0x0  }
0x19: {  	[sflag:s15] =	ssyncadd.s32 $0xFFFFFEC0  }
0x1a: {  	v5 =	vld.idx.msk [tilespmem:v0+s13+$0x0], $0xffff;
	_ =	sdelay $0x4  }
0x1b: {  	v5 =	vshll.u32 v5, $0x9  }
0x1c: {  	[tilespmem:$0x7B00] =	vst v5  }
0x1d: {  	v5 =	vld.idx.msk [tilespmem:v1+s13+$0x0], $0xffff;
	_ =	sdelay $0x4  }
0x1e: {  	v5 =	vshll.u32 v5, $0x9  }
0x1f: {  	[tilespmem:$0x7B10] =	vst v5  }
0x20: {  	v5 =	vld.idx.msk [tilespmem:v2+s13+$0x0], $0xffff;
	_ =	sdelay $0x4  }
0x21: {  	v5 =	vshll.u32 v5, $0x9  }
0x22: {  	[tilespmem:$0x7B20] =	vst v5  }
0x23: {  	v5 =	vld.idx.msk [tilespmem:v3+s13+$0x0], $0xffff;
	_ =	sdelay $0x4  }
0x24: {  	v5 =	vshll.u32 v5, $0x9  }
0x25: {  	[tilespmem:$0x7B30] =	vst v5  }
0x26: {  	v5 =	vld.idx.msk [tilespmem:v4+s13+$0x0], $0xffff;
	_ =	sdelay $0x1  }
0x27: {  	s22 =	smul.u32 $0xA0, s21  }
0x28: {  	p0 =	seq.s32 s21, $0x9F  }
0x29: {  	s23 =	sadd.s32 @!p0 s22, s7  }
0x2a: {  	s31 =	simm.s32 $0x7B00;
	s23 =	sshrl.u32 @!p0 s23, $0x1;
	v5 =	vshll.u32 v5, $0x9  }
0x2b: {  	s24 =	simm.s32 @!p0 $0x0;
	s25 =	simm.s32 @!p0 $0x7800;
	s23 =	sadd.s32 @!p0 s3, s23;
	[tilespmem:$0x7B40] =	vst v5  }
0x2c: {  	[tilespmem:s25], [sflag:$0x1] =	stream.linear.gather @!p0 [hbm4b:s23+s24], $0x140, $0x38;
	[tilespmem:$0x7C00] =	vst v63  }
0x2d: {  	v5 =	vld [tilespmem:s31+$0x0];
	_ =	sdelay $0x4  }
0x2e: {  	(v2sf) =	vpush v5, $0x0;
	_ =	sdelay $0x1  }
0x2f: {  	(v2sf) =	vpush v5, $0x1;
	_ =	sdelay $0x1  }
0x30: {  	(v2sf) =	vpush v5, $0x2;
	_ =	sdelay $0x1  }
0x31: {  	(v2sf) =	vpush v5, $0x3;
	_ =	sdelay $0x1  }
0x32: {  	(v2sf) =	vpush v5, $0x4;
	_ =	sdelay $0x1  }
0x33: {  	(v2sf) =	vpush v5, $0x5;
	_ =	sdelay $0x1  }
0x34: {  	(v2sf) =	vpush v5, $0x6;
	_ =	sdelay $0x1  }
0x35: {  	(v2sf) =	vpush v5, $0x7  }
0x36: {  	s26 =	sadd.s32 $0x0, s20;
	s24 =	spop (v2sf)  }
0x37: {  	(v2sf) =	vpush v5, $0x8;
	[hbm4b:s26+s2] =	stream.linear.scatter [tilespmem:s24], [sflag:$0x3], $0x200, $0x38;
	[tilespmem:$0x7C00] =	vst v63  }
0x38: {  	s25 =	sadd.s32 $0x40, s26;
	s29 =	spop (v2sf);
	(v2sf) =	vpush v5, $0x9  }
0x39: {  	[hbm4b:s25+s2] =	stream.linear.scatter [tilespmem:s29], [sflag:$0x3], $0x200, $0x38;
	[tilespmem:$0x7C00] =	vst v63  }
0x3a: {  	s30 =	sadd.s32 $0x80, s26;
	s31 =	spop (v2sf);
	(v2sf) =	vpush v5, $0xA  }
0x3b: {  	[hbm4b:s30+s2] =	stream.linear.scatter [tilespmem:s31], [sflag:$0x3], $0x200, $0x38;
	[tilespmem:$0x7C00] =	vst v63  }
0x3c: {  	s25 =	sadd.s32 $0xC0, s26;
	s29 =	spop (v2sf);
	(v2sf) =	vpush v5, $0xB  }
0x3d: {  	[hbm4b:s25+s2] =	stream.linear.scatter [tilespmem:s29], [sflag:$0x3], $0x200, $0x38;
	[tilespmem:$0x7C00] =	vst v63  }
0x3e: {  	s30 =	sadd.s32 $0x100, s26;
	s31 =	spop (v2sf);
	(v2sf) =	vpush v5, $0xC  }
0x3f: {  	[hbm4b:s30+s2] =	stream.linear.scatter [tilespmem:s31], [sflag:$0x3], $0x200, $0x38;
	[tilespmem:$0x7C00] =	vst v63  }
0x40: {  	s25 =	sadd.s32 $0x140, s26;
	s29 =	spop (v2sf)  }
0x41: {  	(v2sf) =	vpush v5, $0xD;
	[hbm4b:s25+s2] =	stream.linear.scatter [tilespmem:s29], [sflag:$0x3], $0x200, $0x38;
	[tilespmem:$0x7C00] =	vst v63  }
0x42: {  	s23 =	simm.s32 $0x7B10;
	s30 =	sadd.s32 $0x180, s26;
	s31 =	spop (v2sf)  }
0x43: {  	(v2sf) =	vpush v5, $0xE;
	[hbm4b:s30+s2] =	stream.linear.scatter [tilespmem:s31], [sflag:$0x3], $0x200, $0x38;
	[tilespmem:$0x7C00] =	vst v63  }
0x44: {  	s25 =	sadd.s32 $0x1C0, s26;
	s29 =	spop (v2sf);
	(v2sf) =	vpush v5, $0xF;
	v5 =	vld [tilespmem:s23+$0x0]  }
0x45: {  	[hbm4b:s25+s2] =	stream.linear.scatter [tilespmem:s29], [sflag:$0x3], $0x200, $0x38;
	[tilespmem:$0x7C00] =	vst v63  }
0x46: {  	s31 =	spop (v2sf)  }
0x47: {  	s30 =	sadd.s32 $0x200, s26;
	s29 =	spop (v2sf)  }
0x48: {  	[hbm4b:s30+s2] =	stream.linear.scatter [tilespmem:s31], [sflag:$0x3], $0x200, $0x38;
	[tilespmem:$0x7C00] =	vst v63  }
0x49: {  	s25 =	sadd.s32 $0x240, s26;
	(v2sf) =	vpush v5, $0x0;
	s31 =	spop (v2sf)  }
0x4a: {  	[hbm4b:s25+s2] =	stream.linear.scatter [tilespmem:s29], [sflag:$0x3], $0x200, $0x38;
	[tilespmem:$0x7C00] =	vst v63  }
0x4b: {  	s30 =	sadd.s32 $0x280, s26;
	(v2sf) =	vpush v5, $0x1;
	s29 =	spop (v2sf)  }
0x4c: {  	[hbm4b:s30+s2] =	stream.linear.scatter [tilespmem:s31], [sflag:$0x3], $0x200, $0x38;
	[tilespmem:$0x7C00] =	vst v63  }
0x4d: {  	s31 =	spop (v2sf);
	(v2sf) =	vpush v5, $0x2  }
0x4e: {  	s25 =	sadd.s32 $0x2C0, s26  }
0x4f: {  	(v2sf) =	vpush v5, $0x3;
	[hbm4b:s25+s2] =	stream.linear.scatter [tilespmem:s29], [sflag:$0x3], $0x200, $0x38;
	[tilespmem:$0x7C00] =	vst v63  }
0x50: {  	s24 =	simm.s32 $0x800;
	s30 =	sadd.s32 $0x300, s26;
	s29 =	spop (v2sf)  }
0x51: {  	(v2sf) =	vpush v5, $0x4;
	[hbm4b:s30+s2] =	stream.linear.scatter [tilespmem:s31], [sflag:$0x3], $0x200, $0x38;
	[tilespmem:$0x7C00] =	vst v63  }
0x52: {  	s25 =	sadd.s32 $0x340, s26;
	s30 =	sadd.s32 $0x380, s26;
	s31 =	spop (v2sf)  }
0x53: {  	(v2sf) =	vpush v5, $0x5;
	[hbm4b:s25+s2] =	stream.linear.scatter [tilespmem:s29], [sflag:$0x3], $0x200, $0x38;
	[tilespmem:$0x7C00] =	vst v63  }
0x54: {  	s26 =	sadd.s32 $0x3C0, s26;
	s28 =	spop (v2sf);
	s25 =	simm.s32 $0x400  }
0x55: {  	(v2sf) =	vpush v5, $0x6;
	[hbm4b:s30+s2] =	stream.linear.scatter [tilespmem:s31], [sflag:$0x3], $0x200, $0x38;
	[tilespmem:$0x7C00] =	vst v63  }
.LBB2_3:
0x56: {  	[hbm4b:s26+s2] =	stream.linear.scatter [tilespmem:s28], [sflag:$0x3], $0x200, $0x38;
	[tilespmem:$0x7C00] =	vst v63  }
0x57: {  	(v2sf) =	vpush v5, $0x7;
	s28 =	smov.u32 s24  }
0x58: {  	p1 =	sne.s32 s24, $0x1000;
	s26 =	sadd.s32 s25, s20;
	s25 =	spop (v2sf)  }
0x59: {  	[hbm4b:s26+s2] =	stream.linear.scatter [tilespmem:s25], [sflag:$0x3], $0x200, $0x38;
	(v2sf) =	vpush v5, $0x8;
	[tilespmem:$0x7C00] =	vst v63  }
0x5a: {  	s24 =	sadd.s32 $0x400, s24;
	s25 =	sadd.s32 $0x40, s26;
	s29 =	spop (v2sf)  }
0x5b: {  	[hbm4b:s25+s2] =	stream.linear.scatter [tilespmem:s29], [sflag:$0x3], $0x200, $0x38;
	(v2sf) =	vpush v5, $0x9;
	[tilespmem:$0x7C00] =	vst v63  }
0x5c: {  	s29 =	sadd.s32 $0x80, s26;
	s25 =	smov.u32 s28;
	s30 =	spop (v2sf)  }
0x5d: {  	[hbm4b:s29+s2] =	stream.linear.scatter [tilespmem:s30], [sflag:$0x3], $0x200, $0x38;
	(v2sf) =	vpush v5, $0xA;
	[tilespmem:$0x7C00] =	vst v63  }
0x5e: {  	s28 =	sadd.s32 $0xC0, s26;
	s29 =	spop (v2sf)  }
0x5f: {  	[hbm4b:s28+s2] =	stream.linear.scatter [tilespmem:s29], [sflag:$0x3], $0x200, $0x38;
	(v2sf) =	vpush v5, $0xB;
	[tilespmem:$0x7C00] =	vst v63  }
0x60: {  	s28 =	sadd.s32 $0x100, s26;
	s29 =	spop (v2sf)  }
0x61: {  	[hbm4b:s28+s2] =	stream.linear.scatter [tilespmem:s29], [sflag:$0x3], $0x200, $0x38;
	(v2sf) =	vpush v5, $0xC;
	[tilespmem:$0x7C00] =	vst v63  }
0x62: {  	s23 =	sadd.s32 $0x10, s23;
	s28 =	sadd.s32 $0x140, s26;
	s29 =	spop (v2sf)  }
0x63: {  	[hbm4b:s28+s2] =	stream.linear.scatter [tilespmem:s29], [sflag:$0x3], $0x200, $0x38;
	(v2sf) =	vpush v5, $0xD;
	[tilespmem:$0x7C00] =	vst v63  }
0x64: {  	s28 =	sadd.s32 $0x180, s26;
	v6 =	vld [tilespmem:s23+$0x0];
	s29 =	spop (v2sf)  }
0x65: {  	[hbm4b:s28+s2] =	stream.linear.scatter [tilespmem:s29], [sflag:$0x3], $0x200, $0x38;
	(v2sf) =	vpush v5, $0xE;
	[tilespmem:$0x7C00] =	vst v63  }
0x66: {  	s28 =	sadd.s32 $0x1C0, s26;
	s29 =	spop (v2sf)  }
0x67: {  	[hbm4b:s28+s2] =	stream.linear.scatter [tilespmem:s29], [sflag:$0x3], $0x200, $0x38;
	(v2sf) =	vpush v5, $0xF;
	[tilespmem:$0x7C00] =	vst v63  }
0x68: {  	s28 =	sadd.s32 $0x200, s26;
	s29 =	spop (v2sf)  }
0x69: {  	(v2sf) =	vpush v6, $0x0;
	[hbm4b:s28+s2] =	stream.linear.scatter [tilespmem:s29], [sflag:$0x3], $0x200, $0x38;
	v5 =	vmov v6;
	[tilespmem:$0x7C00] =	vst v63  }
0x6a: {  	s28 =	sadd.s32 $0x240, s26;
	s29 =	spop (v2sf)  }
0x6b: {  	(v2sf) =	vpush v5, $0x1;
	[hbm4b:s28+s2] =	stream.linear.scatter [tilespmem:s29], [sflag:$0x3], $0x200, $0x38;
	[tilespmem:$0x7C00] =	vst v63  }
0x6c: {  	s28 =	sadd.s32 $0x280, s26;
	s29 =	spop (v2sf)  }
0x6d: {  	(v2sf) =	vpush v5, $0x2;
	[hbm4b:s28+s2] =	stream.linear.scatter [tilespmem:s29], [sflag:$0x3], $0x200, $0x38;
	[tilespmem:$0x7C00] =	vst v63  }
0x6e: {  	s28 =	sadd.s32 $0x2C0, s26;
	s29 =	spop (v2sf)  }
0x6f: {  	(v2sf) =	vpush v5, $0x3;
	[hbm4b:s28+s2] =	stream.linear.scatter [tilespmem:s29], [sflag:$0x3], $0x200, $0x38;
	[tilespmem:$0x7C00] =	vst v63  }
0x70: {  	s28 =	sadd.s32 $0x300, s26;
	s29 =	spop (v2sf)  }
0x71: {  	(v2sf) =	vpush v5, $0x4;
	[hbm4b:s28+s2] =	stream.linear.scatter [tilespmem:s29], [sflag:$0x3], $0x200, $0x38;
	[tilespmem:$0x7C00] =	vst v63  }
.Ltmp0:
0x72: {  	s28 =	sadd.s32 $0x340, s26;
	s29 =	spop (v2sf);
	(pc) =	sbr.rel @p1 .LBB2_3-.Ltmp0, $4  }
0x73: {  	(v2sf) =	vpush v5, $0x5;
	[hbm4b:s28+s2] =	stream.linear.scatter [tilespmem:s29], [sflag:$0x3], $0x200, $0x38;
	[tilespmem:$0x7C00] =	vst v63  }
0x74: {  	s28 =	sadd.s32 $0x380, s26;
	s29 =	spop (v2sf)  }
0x75: {  	(v2sf) =	vpush v5, $0x6;
	[hbm4b:s28+s2] =	stream.linear.scatter [tilespmem:s29], [sflag:$0x3], $0x200, $0x38;
	[tilespmem:$0x7C00] =	vst v63  }
0x76: {  	s26 =	sadd.s32 $0x3C0, s26;
	s28 =	spop (v2sf)  }
0x77: {  	(v2sf) =	vpush v5, $0x7;
	[hbm4b:s26+s2] =	stream.linear.scatter [tilespmem:s28], [sflag:$0x3], $0x200, $0x38;
	[tilespmem:$0x7C00] =	vst v63  }
0x78: {  	s23 =	sadd.s32 s25, s20;
	s24 =	spop (v2sf)  }
0x79: {  	(v2sf) =	vpush v5, $0x8;
	[hbm4b:s23+s2] =	stream.linear.scatter [tilespmem:s24], [sflag:$0x3], $0x200, $0x38;
	[tilespmem:$0x7C00] =	vst v63  }
0x7a: {  	s25 =	sadd.s32 $0x40, s23;
	s26 =	spop (v2sf)  }
0x7b: {  	(v2sf) =	vpush v5, $0x9;
	[hbm4b:s25+s2] =	stream.linear.scatter [tilespmem:s26], [sflag:$0x3], $0x200, $0x38;
	[tilespmem:$0x7C00] =	vst v63  }
0x7c: {  	s28 =	sadd.s32 $0x80, s23;
	s29 =	spop (v2sf)  }
0x7d: {  	(v2sf) =	vpush v5, $0xA;
	[hbm4b:s28+s2] =	stream.linear.scatter [tilespmem:s29], [sflag:$0x3], $0x200, $0x38;
	[tilespmem:$0x7C00] =	vst v63  }
0x7e: {  	s30 =	sadd.s32 $0xC0, s23;
	s31 =	spop (v2sf)  }
0x7f: {  	(v2sf) =	vpush v5, $0xB;
	[hbm4b:s30+s2] =	stream.linear.scatter [tilespmem:s31], [sflag:$0x3], $0x200, $0x38;
	[tilespmem:$0x7C00] =	vst v63  }
0x80: {  	s25 =	sadd.s32 $0x100, s23;
	s26 =	spop (v2sf)  }
0x81: {  	(v2sf) =	vpush v5, $0xC;
	[hbm4b:s25+s2] =	stream.linear.scatter [tilespmem:s26], [sflag:$0x3], $0x200, $0x38;
	[tilespmem:$0x7C00] =	vst v63  }
0x82: {  	s28 =	sadd.s32 $0x140, s23;
	s29 =	spop (v2sf)  }
0x83: {  	(v2sf) =	vpush v5, $0xD;
	[hbm4b:s28+s2] =	stream.linear.scatter [tilespmem:s29], [sflag:$0x3], $0x200, $0x38;
	[tilespmem:$0x7C00] =	vst v63  }
0x84: {  	s30 =	sadd.s32 $0x180, s23;
	s31 =	spop (v2sf)  }
0x85: {  	(v2sf) =	vpush v5, $0xE;
	[hbm4b:s30+s2] =	stream.linear.scatter [tilespmem:s31], [sflag:$0x3], $0x200, $0x38;
	[tilespmem:$0x7C00] =	vst v63  }
0x86: {  	s25 =	sadd.s32 $0x1C0, s23;
	s26 =	spop (v2sf)  }
0x87: {  	(v2sf) =	vpush v5, $0xF;
	[hbm4b:s25+s2] =	stream.linear.scatter [tilespmem:s26], [sflag:$0x3], $0x200, $0x38;
	[tilespmem:$0x7C00] =	vst v63  }
0x88: {  	s28 =	sadd.s32 $0x200, s23;
	s29 =	spop (v2sf)  }
0x89: {  	[hbm4b:s28+s2] =	stream.linear.scatter [tilespmem:s29], [sflag:$0x3], $0x200, $0x38;
	[tilespmem:$0x7C00] =	vst v63  }
0x8a: {  	s30 =	sadd.s32 $0x240, s23;
	s31 =	spop (v2sf)  }
0x8b: {  	[hbm4b:s30+s2] =	stream.linear.scatter [tilespmem:s31], [sflag:$0x3], $0x200, $0x38;
	[tilespmem:$0x7C00] =	vst v63  }
0x8c: {  	s25 =	sadd.s32 $0x280, s23;
	s26 =	spop (v2sf)  }
0x8d: {  	[hbm4b:s25+s2] =	stream.linear.scatter [tilespmem:s26], [sflag:$0x3], $0x200, $0x38;
	[tilespmem:$0x7C00] =	vst v63  }
0x8e: {  	s28 =	sadd.s32 $0x2C0, s23;
	s29 =	spop (v2sf)  }
0x8f: {  	[hbm4b:s28+s2] =	stream.linear.scatter [tilespmem:s29], [sflag:$0x3], $0x200, $0x38;
	[tilespmem:$0x7C00] =	vst v63  }
0x90: {  	s30 =	sadd.s32 $0x300, s23;
	s31 =	spop (v2sf)  }
0x91: {  	[hbm4b:s30+s2] =	stream.linear.scatter [tilespmem:s31], [sflag:$0x3], $0x200, $0x38;
	[tilespmem:$0x7C00] =	vst v63  }
0x92: {  	s26 =	sadd.s32 $0x340, s23;
	s28 =	spop (v2sf)  }
0x93: {  	[hbm4b:s26+s2] =	stream.linear.scatter [tilespmem:s28], [sflag:$0x3], $0x200, $0x38;
	[tilespmem:$0x7C00] =	vst v63  }
0x94: {  	s29 =	sadd.s32 $0x380, s23;
	s30 =	spop (v2sf)  }
0x95: {  	[hbm4b:s29+s2] =	stream.linear.scatter [tilespmem:s30], [sflag:$0x3], $0x200, $0x38;
	[tilespmem:$0x7C00] =	vst v63  }
0x96: {  	s23 =	sadd.s32 $0x3C0, s23;
	s31 =	spop (v2sf)  }
0x97: {  	[hbm4b:s23+s2] =	stream.linear.scatter [tilespmem:s31], [sflag:$0x3], $0x200, $0x38;
	[tilespmem:$0x7C00] =	vst v63  }
0x98: {  	_ =	swait.ge [sflag:s16], $0x140  }
0x99: {  	[sflag:s16] =	ssyncset.done $0x0  }
0x9a: {  	[sflag:s16] =	ssyncadd.s32 $0xFFFFFEC0  }
0x9b: {  	v5 =	vld.idx.msk [tilespmem:v0+s14+$0x0], $0xffff;
	_ =	sdelay $0x4  }
0x9c: {  	v5 =	vshll.u32 v5, $0x9  }
0x9d: {  	[tilespmem:$0x7B80] =	vst v5  }
0x9e: {  	v5 =	vld.idx.msk [tilespmem:v1+s14+$0x0], $0xffff;
	_ =	sdelay $0x4  }
0x9f: {  	v5 =	vshll.u32 v5, $0x9  }
0xa0: {  	[tilespmem:$0x7B90] =	vst v5  }
0xa1: {  	v5 =	vld.idx.msk [tilespmem:v2+s14+$0x0], $0xffff;
	_ =	sdelay $0x4  }
0xa2: {  	v5 =	vshll.u32 v5, $0x9  }
0xa3: {  	[tilespmem:$0x7BA0] =	vst v5  }
0xa4: {  	v5 =	vld.idx.msk [tilespmem:v3+s14+$0x0], $0xffff;
	_ =	sdelay $0x4  }
0xa5: {  	v5 =	vshll.u32 v5, $0x9  }
0xa6: {  	[tilespmem:$0x7BB0] =	vst v5  }
0xa7: {  	v5 =	vld.idx.msk [tilespmem:v4+s14+$0x0], $0xffff;
	_ =	sdelay $0x2  }
0xa8: {  	s22 =	sadd.s32 @!p0 s22, s8  }
0xa9: {  	s22 =	sshrl.u32 @!p0 s22, $0x1  }
0xaa: {  	s22 =	sadd.s32 @!p0 s3, s22;
	v5 =	vshll.u32 v5, $0x9  }
0xab: {  	s24 =	simm.s32 @!p0 $0x7980;
	s25 =	simm.s32 $0x7B80;
	s23 =	simm.s32 @!p0 $0x0;
	[tilespmem:$0x7BC0] =	vst v5  }
0xac: {  	[tilespmem:s24], [sflag:$0x2] =	stream.linear.gather @!p0 [hbm4b:s22+s23], $0x140, $0x38;
	[tilespmem:$0x7C00] =	vst v63  }
0xad: {  	v5 =	vld [tilespmem:s25+$0x0];
	_ =	sdelay $0x4  }
0xae: {  	(v2sf) =	vpush v5, $0x0;
	_ =	sdelay $0x1  }
0xaf: {  	(v2sf) =	vpush v5, $0x1  }
0xb0: {  	(v2sf) =	vpush v5, $0x2;
	_ =	sdelay $0x1  }
0xb1: {  	(v2sf) =	vpush v5, $0x3  }
0xb2: {  	(v2sf) =	vpush v5, $0x4;
	_ =	sdelay $0x1  }
0xb3: {  	(v2sf) =	vpush v5, $0x5;
	_ =	sdelay $0x1  }
0xb4: {  	(v2sf) =	vpush v5, $0x6;
	_ =	sdelay $0x1  }
0xb5: {  	(v2sf) =	vpush v5, $0x7;
	_ =	sdelay $0x1  }
0xb6: {  	(v2sf) =	vpush v5, $0x8  }
0xb7: {  	s25 =	sadd.s32 $0x0, s19;
	s26 =	spop (v2sf)  }
0xb8: {  	(v2sf) =	vpush v5, $0x9;
	[hbm4b:s25+s2] =	stream.linear.scatter [tilespmem:s26], [sflag:$0x3], $0x200, $0x38;
	[tilespmem:$0x7C00] =	vst v63  }
0xb9: {  	s29 =	spop (v2sf)  }
0xba: {  	s28 =	sadd.s32 $0x40, s25;
	(v2sf) =	vpush v5, $0xA;
	s31 =	spop (v2sf)  }
0xbb: {  	[hbm4b:s28+s2] =	stream.linear.scatter [tilespmem:s29], [sflag:$0x3], $0x200, $0x38;
	[tilespmem:$0x7C00] =	vst v63  }
0xbc: {  	(v2sf) =	vpush v5, $0xB;
	s26 =	spop (v2sf)  }
0xbd: {  	s30 =	sadd.s32 $0x80, s25;
	s29 =	spop (v2sf)  }
0xbe: {  	(v2sf) =	vpush v5, $0xC;
	[hbm4b:s30+s2] =	stream.linear.scatter [tilespmem:s31], [sflag:$0x3], $0x200, $0x38;
	[tilespmem:$0x7C00] =	vst v63  }
0xbf: {  	s24 =	sadd.s32 $0xC0, s25;
	s31 =	spop (v2sf)  }
0xc0: {  	[hbm4b:s24+s2] =	stream.linear.scatter [tilespmem:s26], [sflag:$0x3], $0x200, $0x38;
	[tilespmem:$0x7C00] =	vst v63  }
0xc1: {  	s28 =	sadd.s32 $0x100, s25;
	s26 =	spop (v2sf)  }
0xc2: {  	(v2sf) =	vpush v5, $0xD;
	[hbm4b:s28+s2] =	stream.linear.scatter [tilespmem:s29], [sflag:$0x3], $0x200, $0x38;
	[tilespmem:$0x7C00] =	vst v63  }
0xc3: {  	s22 =	simm.s32 $0x7B90;
	s30 =	sadd.s32 $0x140, s25;
	s29 =	spop (v2sf)  }
0xc4: {  	(v2sf) =	vpush v5, $0xE;
	[hbm4b:s30+s2] =	stream.linear.scatter [tilespmem:s31], [sflag:$0x3], $0x200, $0x38;
	[tilespmem:$0x7C00] =	vst v63  }
0xc5: {  	s24 =	sadd.s32 $0x180, s25;
	(v2sf) =	vpush v5, $0xF;
	v5 =	vld [tilespmem:s22+$0x0];
	s31 =	spop (v2sf)  }
0xc6: {  	[hbm4b:s24+s2] =	stream.linear.scatter [tilespmem:s26], [sflag:$0x3], $0x200, $0x38;
	[tilespmem:$0x7C00] =	vst v63  }
0xc7: {  	s28 =	sadd.s32 $0x1C0, s25;
	s26 =	spop (v2sf)  }
0xc8: {  	[hbm4b:s28+s2] =	stream.linear.scatter [tilespmem:s29], [sflag:$0x3], $0x200, $0x38;
	[tilespmem:$0x7C00] =	vst v63  }
0xc9: {  	s30 =	sadd.s32 $0x200, s25;
	s29 =	spop (v2sf)  }
0xca: {  	(v2sf) =	vpush v5, $0x0;
	[hbm4b:s30+s2] =	stream.linear.scatter [tilespmem:s31], [sflag:$0x3], $0x200, $0x38;
	[tilespmem:$0x7C00] =	vst v63  }
0xcb: {  	s24 =	sadd.s32 $0x240, s25;
	s31 =	spop (v2sf)  }
0xcc: {  	(v2sf) =	vpush v5, $0x1;
	[hbm4b:s24+s2] =	stream.linear.scatter [tilespmem:s26], [sflag:$0x3], $0x200, $0x38;
	[tilespmem:$0x7C00] =	vst v63  }
0xcd: {  	s28 =	sadd.s32 $0x280, s25;
	s26 =	spop (v2sf)  }
0xce: {  	(v2sf) =	vpush v5, $0x2;
	[hbm4b:s28+s2] =	stream.linear.scatter [tilespmem:s29], [sflag:$0x3], $0x200, $0x38;
	[tilespmem:$0x7C00] =	vst v63  }
0xcf: {  	s30 =	sadd.s32 $0x2C0, s25  }
0xd0: {  	(v2sf) =	vpush v5, $0x3;
	[hbm4b:s30+s2] =	stream.linear.scatter [tilespmem:s31], [sflag:$0x3], $0x200, $0x38;
	[tilespmem:$0x7C00] =	vst v63  }
0xd1: {  	s23 =	simm.s32 $0x800;
	s24 =	sadd.s32 $0x300, s25;
	s29 =	spop (v2sf)  }
0xd2: {  	(v2sf) =	vpush v5, $0x4;
	[hbm4b:s24+s2] =	stream.linear.scatter [tilespmem:s26], [sflag:$0x3], $0x200, $0x38;
	[tilespmem:$0x7C00] =	vst v63  }
0xd3: {  	s28 =	sadd.s32 $0x340, s25;
	s30 =	sadd.s32 $0x380, s25;
	s31 =	spop (v2sf)  }
0xd4: {  	(v2sf) =	vpush v5, $0x5;
	[hbm4b:s28+s2] =	stream.linear.scatter [tilespmem:s29], [sflag:$0x3], $0x200, $0x38;
	[tilespmem:$0x7C00] =	vst v63  }
0xd5: {  	s25 =	sadd.s32 $0x3C0, s25;
	s24 =	simm.s32 $0x400;
	s26 =	spop (v2sf)  }
0xd6: {  	(v2sf) =	vpush v5, $0x6;
	[hbm4b:s30+s2] =	stream.linear.scatter [tilespmem:s31], [sflag:$0x3], $0x200, $0x38;
	[tilespmem:$0x7C00] =	vst v63  }
.LBB2_5:
0xd7: {  	[hbm4b:s25+s2] =	stream.linear.scatter [tilespmem:s26], [sflag:$0x3], $0x200, $0x38;
	[tilespmem:$0x7C00] =	vst v63  }
0xd8: {  	(v2sf) =	vpush v5, $0x7;
	s26 =	smov.u32 s23  }
0xd9: {  	p0 =	sne.s32 s23, $0x1000;
	s25 =	sadd.s32 s24, s19;
	s24 =	spop (v2sf)  }
0xda: {  	[hbm4b:s25+s2] =	stream.linear.scatter [tilespmem:s24], [sflag:$0x3], $0x200, $0x38;
	(v2sf) =	vpush v5, $0x8;
	[tilespmem:$0x7C00] =	vst v63  }
0xdb: {  	s23 =	sadd.s32 $0x400, s23;
	s24 =	sadd.s32 $0x40, s25;
	s28 =	spop (v2sf)  }
0xdc: {  	[hbm4b:s24+s2] =	stream.linear.scatter [tilespmem:s28], [sflag:$0x3], $0x200, $0x38;
	(v2sf) =	vpush v5, $0x9;
	[tilespmem:$0x7C00] =	vst v63  }
0xdd: {  	s28 =	sadd.s32 $0x80, s25;
	s24 =	smov.u32 s26;
	s29 =	spop (v2sf)  }
0xde: {  	[hbm4b:s28+s2] =	stream.linear.scatter [tilespmem:s29], [sflag:$0x3], $0x200, $0x38;
	(v2sf) =	vpush v5, $0xA;
	[tilespmem:$0x7C00] =	vst v63  }
0xdf: {  	s26 =	sadd.s32 $0xC0, s25;
	s28 =	spop (v2sf)  }
0xe0: {  	[hbm4b:s26+s2] =	stream.linear.scatter [tilespmem:s28], [sflag:$0x3], $0x200, $0x38;
	(v2sf) =	vpush v5, $0xB;
	[tilespmem:$0x7C00] =	vst v63  }
0xe1: {  	s26 =	sadd.s32 $0x100, s25;
	s28 =	spop (v2sf)  }
0xe2: {  	[hbm4b:s26+s2] =	stream.linear.scatter [tilespmem:s28], [sflag:$0x3], $0x200, $0x38;
	(v2sf) =	vpush v5, $0xC;
	[tilespmem:$0x7C00] =	vst v63  }
0xe3: {  	s22 =	sadd.s32 $0x10, s22;
	s26 =	sadd.s32 $0x140, s25;
	s28 =	spop (v2sf)  }
0xe4: {  	[hbm4b:s26+s2] =	stream.linear.scatter [tilespmem:s28], [sflag:$0x3], $0x200, $0x38;
	(v2sf) =	vpush v5, $0xD;
	[tilespmem:$0x7C00] =	vst v63  }
0xe5: {  	s26 =	sadd.s32 $0x180, s25;
	v6 =	vld [tilespmem:s22+$0x0];
	s28 =	spop (v2sf)  }
0xe6: {  	[hbm4b:s26+s2] =	stream.linear.scatter [tilespmem:s28], [sflag:$0x3], $0x200, $0x38;
	(v2sf) =	vpush v5, $0xE;
	[tilespmem:$0x7C00] =	vst v63  }
0xe7: {  	s26 =	sadd.s32 $0x1C0, s25;
	s28 =	spop (v2sf)  }
0xe8: {  	[hbm4b:s26+s2] =	stream.linear.scatter [tilespmem:s28], [sflag:$0x3], $0x200, $0x38;
	(v2sf) =	vpush v5, $0xF;
	[tilespmem:$0x7C00] =	vst v63  }
0xe9: {  	s26 =	sadd.s32 $0x200, s25;
	s28 =	spop (v2sf)  }
0xea: {  	(v2sf) =	vpush v6, $0x0;
	[hbm4b:s26+s2] =	stream.linear.scatter [tilespmem:s28], [sflag:$0x3], $0x200, $0x38;
	v5 =	vmov v6;
	[tilespmem:$0x7C00] =	vst v63  }
0xeb: {  	s26 =	sadd.s32 $0x240, s25;
	s28 =	spop (v2sf)  }
0xec: {  	(v2sf) =	vpush v5, $0x1;
	[hbm4b:s26+s2] =	stream.linear.scatter [tilespmem:s28], [sflag:$0x3], $0x200, $0x38;
	[tilespmem:$0x7C00] =	vst v63  }
0xed: {  	s26 =	sadd.s32 $0x280, s25;
	s28 =	spop (v2sf)  }
0xee: {  	(v2sf) =	vpush v5, $0x2;
	[hbm4b:s26+s2] =	stream.linear.scatter [tilespmem:s28], [sflag:$0x3], $0x200, $0x38;
	[tilespmem:$0x7C00] =	vst v63  }
0xef: {  	s26 =	sadd.s32 $0x2C0, s25;
	s28 =	spop (v2sf)  }
0xf0: {  	(v2sf) =	vpush v5, $0x3;
	[hbm4b:s26+s2] =	stream.linear.scatter [tilespmem:s28], [sflag:$0x3], $0x200, $0x38;
	[tilespmem:$0x7C00] =	vst v63  }
0xf1: {  	s26 =	sadd.s32 $0x300, s25;
	s28 =	spop (v2sf)  }
0xf2: {  	(v2sf) =	vpush v5, $0x4;
	[hbm4b:s26+s2] =	stream.linear.scatter [tilespmem:s28], [sflag:$0x3], $0x200, $0x38;
	[tilespmem:$0x7C00] =	vst v63  }
.Ltmp1:
0xf3: {  	s26 =	sadd.s32 $0x340, s25;
	s28 =	spop (v2sf);
	(pc) =	sbr.rel @p0 .LBB2_5-.Ltmp1, $4  }
0xf4: {  	(v2sf) =	vpush v5, $0x5;
	[hbm4b:s26+s2] =	stream.linear.scatter [tilespmem:s28], [sflag:$0x3], $0x200, $0x38;
	[tilespmem:$0x7C00] =	vst v63  }
0xf5: {  	s26 =	sadd.s32 $0x380, s25;
	s28 =	spop (v2sf)  }
0xf6: {  	(v2sf) =	vpush v5, $0x6;
	[hbm4b:s26+s2] =	stream.linear.scatter [tilespmem:s28], [sflag:$0x3], $0x200, $0x38;
	[tilespmem:$0x7C00] =	vst v63  }
0xf7: {  	s25 =	sadd.s32 $0x3C0, s25;
	s26 =	spop (v2sf)  }
0xf8: {  	(v2sf) =	vpush v5, $0x7;
	[hbm4b:s25+s2] =	stream.linear.scatter [tilespmem:s26], [sflag:$0x3], $0x200, $0x38;
	[tilespmem:$0x7C00] =	vst v63  }
0xf9: {  	s22 =	sadd.s32 s24, s19;
	s23 =	spop (v2sf)  }
0xfa: {  	(v2sf) =	vpush v5, $0x8;
	[hbm4b:s22+s2] =	stream.linear.scatter [tilespmem:s23], [sflag:$0x3], $0x200, $0x38;
	[tilespmem:$0x7C00] =	vst v63  }
0xfb: {  	s28 =	sadd.s32 $0x40, s22;
	s29 =	spop (v2sf)  }
0xfc: {  	(v2sf) =	vpush v5, $0x9;
	[hbm4b:s28+s2] =	stream.linear.scatter [tilespmem:s29], [sflag:$0x3], $0x200, $0x38;
	[tilespmem:$0x7C00] =	vst v63  }
0xfd: {  	s30 =	sadd.s32 $0x80, s22;
	s31 =	spop (v2sf)  }
0xfe: {  	(v2sf) =	vpush v5, $0xA;
	[hbm4b:s30+s2] =	stream.linear.scatter [tilespmem:s31], [sflag:$0x3], $0x200, $0x38;
	[tilespmem:$0x7C00] =	vst v63  }
0xff: {  	s25 =	sadd.s32 $0xC0, s22;
	s26 =	spop (v2sf)  }
0x100: {  	(v2sf) =	vpush v5, $0xB;
	[hbm4b:s25+s2] =	stream.linear.scatter [tilespmem:s26], [sflag:$0x3], $0x200, $0x38;
	[tilespmem:$0x7C00] =	vst v63  }
0x101: {  	s28 =	sadd.s32 $0x100, s22;
	s29 =	spop (v2sf)  }
0x102: {  	(v2sf) =	vpush v5, $0xC;
	[hbm4b:s28+s2] =	stream.linear.scatter [tilespmem:s29], [sflag:$0x3], $0x200, $0x38;
	[tilespmem:$0x7C00] =	vst v63  }
0x103: {  	s30 =	sadd.s32 $0x140, s22;
	s31 =	spop (v2sf)  }
0x104: {  	(v2sf) =	vpush v5, $0xD;
	[hbm4b:s30+s2] =	stream.linear.scatter [tilespmem:s31], [sflag:$0x3], $0x200, $0x38;
	[tilespmem:$0x7C00] =	vst v63  }
0x105: {  	s25 =	sadd.s32 $0x180, s22;
	s26 =	spop (v2sf)  }
0x106: {  	[hbm4b:s25+s2] =	stream.linear.scatter [tilespmem:s26], [sflag:$0x3], $0x200, $0x38;
	[tilespmem:$0x7C00] =	vst v63  }
0x107: {  	s28 =	sadd.s32 $0x1C0, s22;
	(v2sf) =	vpush v5, $0xE;
	s29 =	spop (v2sf)  }
0x108: {  	[hbm4b:s28+s2] =	stream.linear.scatter [tilespmem:s29], [sflag:$0x3], $0x200, $0x38;
	[tilespmem:$0x7C00] =	vst v63  }
0x109: {  	s30 =	sadd.s32 $0x200, s22;
	(v2sf) =	vpush v5, $0xF;
	s31 =	spop (v2sf)  }
0x10a: {  	[hbm4b:s30+s2] =	stream.linear.scatter [tilespmem:s31], [sflag:$0x3], $0x200, $0x38;
	[tilespmem:$0x7C00] =	vst v63  }
0x10b: {  	s25 =	sadd.s32 $0x240, s22;
	s26 =	spop (v2sf)  }
0x10c: {  	[hbm4b:s25+s2] =	stream.linear.scatter [tilespmem:s26], [sflag:$0x3], $0x200, $0x38;
	[tilespmem:$0x7C00] =	vst v63  }
0x10d: {  	s28 =	sadd.s32 $0x280, s22;
	s29 =	spop (v2sf)  }
0x10e: {  	[hbm4b:s28+s2] =	stream.linear.scatter [tilespmem:s29], [sflag:$0x3], $0x200, $0x38;
	[tilespmem:$0x7C00] =	vst v63  }
0x10f: {  	s30 =	sadd.s32 $0x2C0, s22;
	s31 =	spop (v2sf)  }
0x110: {  	[hbm4b:s30+s2] =	stream.linear.scatter [tilespmem:s31], [sflag:$0x3], $0x200, $0x38;
	[tilespmem:$0x7C00] =	vst v63  }
0x111: {  	s21 =	sadd.s32 $0x1, s21;
	s24 =	sadd.s32 $0x300, s22;
	s25 =	spop (v2sf)  }
0x112: {  	[hbm4b:s24+s2] =	stream.linear.scatter [tilespmem:s25], [sflag:$0x3], $0x200, $0x38;
	[tilespmem:$0x7C00] =	vst v63  }
0x113: {  	p0 =	sne.s32 s21, $0xA0;
	s26 =	sadd.s32 $0x340, s22;
	s28 =	spop (v2sf)  }
0x114: {  	[hbm4b:s26+s2] =	stream.linear.scatter [tilespmem:s28], [sflag:$0x3], $0x200, $0x38;
	[tilespmem:$0x7C00] =	vst v63  }
.Ltmp2:
0x115: {  	_ = 	snop;
	(pc) =	sbr.rel @p0 .LBB2_2-.Ltmp2, $4  }
0x116: {  	s20 =	sadd.s32 $0x2800, s20;
	s29 =	sadd.s32 $0x380, s22;
	s30 =	spop (v2sf)  }
0x117: {  	[hbm4b:s29+s2] =	stream.linear.scatter [tilespmem:s30], [sflag:$0x3], $0x200, $0x38;
	[tilespmem:$0x7C00] =	vst v63  }
0x118: {  	s19 =	sadd.s32 $0x2800, s19;
	s22 =	sadd.s32 $0x3C0, s22;
	s31 =	spop (v2sf)  }
0x119: {  	[hbm4b:s22+s2] =	stream.linear.scatter [tilespmem:s31], [sflag:$0x3], $0x200, $0x38;
	[tilespmem:$0x7C00] =	vst v63  }
0x11a: {  	_ =	swait.ge [sflag:s17], $0x10000  }
0x11b: {  	s19 =	simm.s32 $0xC7;
	[sflag:s17] =	ssyncset.done $0x0  }
.LBB2_8:
0x11c: {  	p0 =	sne.s32 s19, $0x1;
	s19 =	sadd.s32 $0xFFFFFFFF, s19;
	[sflag:s17] =	ssyncadd.s32 $0xFFFF0000  }
.Ltmp3:
0x11d: {  	(pc) =	sbr.rel @p0 .LBB2_8-.Ltmp3, $3  }
0x11e: {  	_ =	sdelay $0x1  }
0x11f: {  	_ =	swait.ge [sflag:s17], $0x10000  }
0x120: {  	[sflag:s17] =	ssyncset.done $0x0  }
0x121: {  	s18 =	sadd.s32 $0x1, s18  }
0x122: {  	p0 =	sne.s32 s18, s9  }
.Ltmp4:
0x123: {  	_ = 	snop;
	(pc) =	sbr.rel @p0 .LBB2_1-.Ltmp4, $2  }
0x124: {  	_ =	sdelay $0x2  }
0x125: {  	[sflag:s17] =	ssyncadd.s32 $0xFFFF0000  }
0x126: {  	_ =	sfence.sel $0x180000  }
0x127: {  	[bflag:$0x0] =	sbarrier.arrive $0xFFFF  }
0x128: {  	p0 =	sne.s32 s0, $0x0;
	_ =	strace $0x90000047  }
0x129: {  	s0 =	sadd.s32 @!p0 $0x100000, s1;
	[bflag:$0x2] =	sbarrier.arrive $0xFFFF  }
0x12a: {  	[sflag:s0] =	ssyncadd.tile.s32 @!p0 $0x1;
	_ =	shalt  }
.Lfunc_end2:
_tile_overlayer_lowered:
.L_overlay_start_2:
0x12b: {  	(tag) =	ssettag $0x2  }
0x12c: {  	s0 =	rddreg [dreg:$0x0];
	s2 =	stileid.u32  }
0x12d: {  	s1 =	rddreg [dreg:$0x1];
	p0 =	sne.s32 s2, $0x0  }
0x12e: {  	s3 =	rddreg [dreg:$0x2];
	[bflag:$0x3] =	sbarrier.arrive $0xFFFF;
	s2 =	simm.s32 @!p0 $0x1C04  }
0x12f: {  	[timem:s3], [sflag:s2] =	dma.local @!p0 [hbm:s0], s1  }
0x130: {  	s0 =	simm.s32 @!p0 $0x4  }
0x131: {  	_ =	swait.ge @!p0 [sflag:s0], s1  }
0x132: {  	s1 =	ssub.s32 @!p0 $0x0, s1;
	[sflag:s0] =	ssyncset.done @!p0 $0x0  }
0x133: {  	[sflag:s0] =	ssyncadd.s32 @!p0 s1  }
0x134: {  	[bflag:$0x3] =	sbarrier.arrive $0xFFFF  }
0x135: {  	_ =	shalt  }

</sc_bundles>
